<compile_context>
chip_gen: v7x
topology: tpu7x:2x2x1
jax: 0.10.2.dev20260603
libtpu: 0.0.44.dev20260713+nightly
codegen_flags: <defaults>
</compile_context>

<pallas_src>
import functools

import jax
import jax.numpy as jnp
from jax import lax
from jax.experimental import pallas as pl
from jax.experimental.pallas import tpu as pltpu
from jax.experimental.pallas import tpu_sc as plsc

B, T, D_IN = 16, 2048, 512
K, D_C = 1024, 256
N = B * T

R_A = 1024
NKC = 4
CK = K // NKC
SC_WORKERS = 32
SC_CHUNK = 128
_PREC = lax.Precision.DEFAULT


def _stage_a_body(x_ref, in_v_ref, in_g_ref, in_b_ref, cb_ref, cs_ref, cbias_ref,
                  z_e_ref, idx_ref, w_in_s, cbs_s, cbsq_s, d_s):
    i = pl.program_id(0)

    @pl.when(i == 0)
    def _prep():
        v = in_v_ref[...]
        nrm = jnp.sqrt(jnp.sum(v * v, axis=0, keepdims=True))
        w_in_s[...] = in_g_ref[...] * v / jnp.maximum(nrm, 1e-12)
        cb = cb_ref[...]
        cn = jnp.sqrt(jnp.sum(cb * cb, axis=1, keepdims=True))
        cbs = cb / jnp.maximum(cn, 1e-12) * cs_ref[...] + cbias_ref[...]
        cbs_s[...] = cbs
        ones = jnp.ones((1, D_C), jnp.float32)
        cbsq_s[...] = lax.dot_general(ones, cbs * cbs, (((1,), (1,)), ((), ())),
                                      precision=lax.Precision.HIGHEST,
                                      preferred_element_type=jnp.float32)

    x_t = x_ref[...]
    z_e = lax.dot_general(x_t, w_in_s[...], (((1,), (0,)), ((), ())),
                          precision=_PREC, preferred_element_type=jnp.float32)
    z_e = z_e + in_b_ref[...]
    z_e_ref[...] = z_e
    nrm = jnp.sqrt(jnp.sum(z_e * z_e, axis=1, keepdims=True))
    enc = z_e / jnp.maximum(nrm, 1e-12)
    rs = jnp.sum(enc * enc, axis=1, keepdims=True)
    for j in range(NKC):
        sl = pl.ds(j * CK, CK)
        mm_j = lax.dot_general(enc, cbs_s[sl, :], (((1,), (1,)), ((), ())),
                               precision=_PREC, preferred_element_type=jnp.float32)
        d_s[:, sl] = rs - 2.0 * mm_j + cbsq_s[:, sl]
    d = d_s[...]
    m = jnp.min(d, axis=1, keepdims=True)
    kid = lax.broadcasted_iota(jnp.int32, (R_A, K), 1)
    idx_ref[...] = jnp.min(jnp.where(d == m, kid, jnp.int32(K)),
                           axis=1, keepdims=True)


def _stage_a(x2, in_v, in_g2, in_b2, codebook, cs2, cbias2):
    grid = (N // R_A,)
    return pl.pallas_call(
        _stage_a_body,
        grid=grid,
        in_specs=[
            pl.BlockSpec((R_A, D_IN), lambda i: (i, 0)),
            pl.BlockSpec((D_IN, D_C), lambda i: (0, 0)),
            pl.BlockSpec((1, D_C), lambda i: (0, 0)),
            pl.BlockSpec((1, D_C), lambda i: (0, 0)),
            pl.BlockSpec((K, D_C), lambda i: (0, 0)),
            pl.BlockSpec((1, D_C), lambda i: (0, 0)),
            pl.BlockSpec((1, D_C), lambda i: (0, 0)),
        ],
        out_specs=[
            pl.BlockSpec((R_A, D_C), lambda i: (i, 0)),
            pl.BlockSpec((R_A, 1), lambda i: (i, 0)),
        ],
        out_shape=[
            jax.ShapeDtypeStruct((N, D_C), jnp.float32),
            jax.ShapeDtypeStruct((N, 1), jnp.int32),
        ],
        scratch_shapes=[
            pltpu.VMEM((D_IN, D_C), jnp.float32),
            pltpu.VMEM((K, D_C), jnp.float32),
            pltpu.VMEM((1, K), jnp.float32),
            pltpu.VMEM((R_A, K), jnp.float32),
        ],
    )(x2, in_v, in_g2, in_b2, codebook, cs2, cbias2)


def _sc_gather(codebook, idx_flat):
    b_per_w = N // SC_WORKERS
    n_chunks = b_per_w // SC_CHUNK
    mesh = plsc.VectorSubcoreMesh(core_axis_name="c", subcore_axis_name="s")

    @functools.partial(
        pl.kernel,
        out_type=jax.ShapeDtypeStruct((N, D_C), jnp.float32),
        mesh=mesh,
        scratch_types=[
            pltpu.VMEM((b_per_w,), jnp.int32),
            pltpu.VMEM((SC_CHUNK, D_C), jnp.float32),
            pltpu.VMEM((SC_CHUNK, D_C), jnp.float32),
            pltpu.SemaphoreType.DMA,
            pltpu.SemaphoreType.DMA,
            pltpu.SemaphoreType.DMA,
            pltpu.SemaphoreType.DMA,
        ],
    )
    def gather_kernel(table_hbm, idx_hbm, out_hbm, idx_v, rows0, rows1,
                      gsem0, gsem1, osem0, osem1):
        wid = lax.axis_index("s") * 2 + lax.axis_index("c")
        base_w = wid * b_per_w
        pltpu.sync_copy(idx_hbm.at[pl.ds(base_w, b_per_w)], idx_v)
        rows = (rows0, rows1)
        gsem = (gsem0, gsem1)
        osem = (osem0, osem1)

        def start_gather(c):
            b = c % 2
            return pltpu.async_copy(
                table_hbm.at[idx_v.at[pl.ds(c * SC_CHUNK, SC_CHUNK)]],
                rows[b], gsem[b])

        g = [start_gather(0), None]
        o = [None, None]
        for c in range(n_chunks):
            b = c % 2
            nb = (c + 1) % 2
            if c + 1 < n_chunks:
                if o[nb] is not None:
                    o[nb].wait()
                g[nb] = start_gather(c + 1)
            g[b].wait()
            o[b] = pltpu.async_copy(
                rows[b], out_hbm.at[pl.ds(base_w + c * SC_CHUNK, SC_CHUNK)],
                osem[b])
        o[(n_chunks - 1) % 2].wait()
        if n_chunks > 1:
            o[n_chunks % 2].wait()

    return gather_kernel(codebook, idx_flat)


def _stage_b_body(z_e_ref, z_q_ref, out_v_ref, out_g_ref, out_b_ref,
                  z_q_out_ref, loss_ref, w_out_s):
    i = pl.program_id(0)

    @pl.when(i == 0)
    def _prep():
        v = out_v_ref[...]
        nrm = jnp.sqrt(jnp.sum(v * v, axis=0, keepdims=True))
        w_out_s[...] = out_g_ref[...] * v / jnp.maximum(nrm, 1e-12)

    z_q = z_q_ref[...]
    z_e = z_e_ref[...]
    out = lax.dot_general(z_q, w_out_s[...], (((1,), (0,)), ((), ())),
                          precision=_PREC, preferred_element_type=jnp.float32)
    z_q_out_ref[...] = out + out_b_ref[...]
    diff = z_e - z_q
    loss_ref[...] = jnp.reshape(jnp.sum(diff * diff) * (1.0 / (T * D_C)), (1, 1, 1))


def _stage_b(z_e2, z_q2, out_v, out_g2, out_b2):
    grid = (B,)
    return pl.pallas_call(
        _stage_b_body,
        grid=grid,
        in_specs=[
            pl.BlockSpec((T, D_C), lambda i: (i, 0)),
            pl.BlockSpec((T, D_C), lambda i: (i, 0)),
            pl.BlockSpec((D_C, D_IN), lambda i: (0, 0)),
            pl.BlockSpec((1, D_IN), lambda i: (0, 0)),
            pl.BlockSpec((1, D_IN), lambda i: (0, 0)),
        ],
        out_specs=[
            pl.BlockSpec((T, D_IN), lambda i: (i, 0)),
            pl.BlockSpec((1, 1, 1), lambda i: (i, 0, 0)),
        ],
        out_shape=[
            jax.ShapeDtypeStruct((N, D_IN), jnp.float32),
            jax.ShapeDtypeStruct((B, 1, 1), jnp.float32),
        ],
        scratch_shapes=[
            pltpu.VMEM((D_C, D_IN), jnp.float32),
        ],
    )(z_e2, z_q2, out_v, out_g2, out_b2)


def kernel(x, in_v, in_g, in_b, out_v, out_g, out_b, codebook, code_scale, code_bias):
    x2 = x.reshape(N, D_IN)
    z_e2, idx2 = _stage_a(x2, in_v, in_g.reshape(1, D_C), in_b.reshape(1, D_C),
                          codebook, code_scale.reshape(1, D_C),
                          code_bias.reshape(1, D_C))
    idx_flat = idx2.reshape(N)
    z_q2 = _sc_gather(codebook, idx_flat)
    z_q_out2, loss3 = _stage_b(z_e2, z_q2, out_v, out_g.reshape(1, D_IN),
                               out_b.reshape(1, D_IN))
    loss = loss3.reshape(B)
    return (z_q_out2.reshape(B, T, D_IN), loss, loss,
            idx_flat.reshape(B, T), z_e2.reshape(B, T, D_C))

# --- scband reference (transcript-rebuilt; emitter-appended) ---
"""Pipeline reference for scband-vector-quantize-83227876262215 (READ-ONLY COPY).

The authoritative reference and input builder live on the scoring server;
editing this copy changes nothing except your own understanding.
"""

import jax, jax.numpy as jnp
import numpy as np

B, T, D_IN = 16, 2048, 512
K, D_C = 1024, 256
SYNC_NU = 0.0
NUM_GROUPS = 1


def _normalize(x, axis=-1, eps=1e-12):
    n = jnp.linalg.norm(x, ord=2, axis=axis, keepdims=True)
    return x / jnp.maximum(n, eps)


def _wn_linear(x, v, g, b):
    # weight-normalized 1x1 conv == linear: W = g * v / ||v|| (norm over input axis per output feature)
    w = g[None, :] * v / jnp.maximum(jnp.linalg.norm(v, axis=0, keepdims=True), 1e-12)
    return x @ w + b


def setup_inputs(seed: int = 0):
    key = jax.random.key(seed)
    ks = jax.random.split(key, 8)
    x = jax.random.normal(ks[0], (B, T, D_IN), dtype=jnp.float32)
    in_v = jax.random.normal(ks[1], (D_IN, D_C), dtype=jnp.float32) * 0.05
    in_g = jnp.ones((D_C,), jnp.float32)
    in_b = jnp.zeros((D_C,), jnp.float32)
    out_v = jax.random.normal(ks[2], (D_C, D_IN), dtype=jnp.float32) * 0.05
    out_g = jnp.ones((D_IN,), jnp.float32)
    out_b = jnp.zeros((D_IN,), jnp.float32)
    codebook = jax.random.normal(ks[3], (K, D_C), dtype=jnp.float32) * 0.02
    code_scale = jnp.ones((NUM_GROUPS, D_C), jnp.float32)
    code_bias = jnp.zeros((NUM_GROUPS, D_C), jnp.float32)
    return {"x": x, "in_v": in_v, "in_g": in_g, "in_b": in_b,
            "out_v": out_v, "out_g": out_g, "out_b": out_b,
            "codebook": codebook, "code_scale": code_scale, "code_bias": code_bias}


def reference(x, in_v, in_g, in_b, out_v, out_g, out_b, codebook, code_scale, code_bias):
    # stride == 1 -> no avg_pool
    z_e = _wn_linear(x, in_v, in_g, in_b)  # [B, T, D_C]
    # encode_latents
    enc = z_e.reshape(-1, D_C)             # (b t) d
    enc_n = _normalize(enc, axis=1)
    cb_n = _normalize(codebook, axis=1)
    cb = cb_n.reshape(K // NUM_GROUPS, NUM_GROUPS, D_C) * code_scale + code_bias
    cb = cb.reshape(K, D_C)
    dist = (enc_n ** 2).sum(axis=1, keepdims=True) - 2.0 * (enc_n @ cb.T) + (cb ** 2).sum(axis=1, keepdims=True).T
    idx = jnp.argmax(-dist, axis=1).reshape(B, T)  # int indices
    # decode_code uses the ORIGINAL (unnormalized) embedding table
    z_q = jnp.take(codebook, idx, axis=0)          # [B, T, D_C]
    commitment_loss = ((z_e - jax.lax.stop_gradient(z_q)) ** 2).mean(axis=(1, 2))
    codebook_loss = ((z_q - jax.lax.stop_gradient(z_e)) ** 2).mean(axis=(1, 2))
    z_q_st = z_e + jax.lax.stop_gradient(z_q - z_e) + SYNC_NU * z_q + jax.lax.stop_gradient(-SYNC_NU * z_q)
    z_q_out = _wn_linear(z_q_st, out_v, out_g, out_b)  # [B, T, D_IN]
    return (z_q_out, commitment_loss, codebook_loss, idx, z_e)

if __name__ == "__main__":
    import jax
    _d = setup_inputs()
    print(jax.jit(kernel)(*tuple(_d.values())))

</pallas_src>

<mosaic_0001>
#map = affine_map<(d0, d1) -> (0, 0)>
#map1 = affine_map<(d0, d1) -> (0)>
module attributes {stable_mosaic.version = 14 : i64} {
  func.func @gather_kernel(%arg0: i32, %arg1: i32, %arg2: memref<1024x256xf32, #tpu.memory_space<hbm>>, %arg3: memref<32768xi32, #tpu.memory_space<hbm>>, %arg4: memref<32768x256xf32, #tpu.memory_space<hbm>>, %arg5: memref<1024xi32, #tpu.memory_space<vmem>>, %arg6: memref<128x256xf32, #tpu.memory_space<vmem>>, %arg7: memref<128x256xf32, #tpu.memory_space<vmem>>, %arg8: memref<!tpu.dma_semaphore, #tpu.memory_space<semaphore_mem>>, %arg9: memref<!tpu.dma_semaphore, #tpu.memory_space<semaphore_mem>>, %arg10: memref<!tpu.dma_semaphore, #tpu.memory_space<semaphore_mem>>, %arg11: memref<!tpu.dma_semaphore, #tpu.memory_space<semaphore_mem>>) attributes {dimension_semantics = [#tpu.dimension_semantics<core_parallel>, #tpu.dimension_semantics<subcore_parallel>], iteration_bounds = array<i64: 2, 16>, scalar_prefetch = 0 : i64, scratch_operands = 7 : i64, tpu.core_type = #tpu.core_type<sc_vector_subcore>, window_params = [{transform_indices = #map}, {transform_indices = #map1}, {transform_indices = #map}]} {
    %mul3A = arith.constant 2 : i32
    %mul3A_0 = arith.muli %arg1, %mul3A : i32
    %add3A = arith.addi %mul3A_0, %arg0 : i32
    %mul3A_1 = arith.constant 1024 : i32
    %mul3A_2 = arith.muli %add3A, %mul3A_1 : i32
    "tpu.region"() ({
      %run_scoped3A = tpu.sem_alloc : memref<!tpu.dma_semaphore, #tpu.memory_space<semaphore_mem>>
      %dma_start3A_161 = tpu.memref_slice %arg3[%mul3A_2] : memref<32768xi32, #tpu.memory_space<hbm>> -> memref<1024xi32, #tpu.memory_space<hbm>>
      %dma_start3A_162 = tpu.memref_slice %arg3[%mul3A_2] : memref<32768xi32, #tpu.memory_space<hbm>> -> memref<1024xi32, #tpu.memory_space<hbm>>
      tpu.enqueue_dma source(%dma_start3A_162 : memref<1024xi32, #tpu.memory_space<hbm>>) target(%arg5 : memref<1024xi32, #tpu.memory_space<vmem>>) target_semaphore(%run_scoped3A : memref<!tpu.dma_semaphore, #tpu.memory_space<semaphore_mem>>)
      %dma_wait3A_163 = tpu.memref_slice %arg3[%mul3A_2] : memref<32768xi32, #tpu.memory_space<hbm>> -> memref<1024xi32, #tpu.memory_space<hbm>>
      %dma_wait3A_164 = tpu.memref_slice %arg3[%mul3A_2] : memref<32768xi32, #tpu.memory_space<hbm>> -> memref<1024xi32, #tpu.memory_space<hbm>>
      tpu.wait_dma2 semaphore(%run_scoped3A : memref<!tpu.dma_semaphore, #tpu.memory_space<semaphore_mem>>) src(%dma_wait3A_164 : memref<1024xi32, #tpu.memory_space<hbm>>) dst(%arg5 : memref<1024xi32, #tpu.memory_space<vmem>>)
      tpu.yield
    }) : () -> ()
    %dma_start3A = arith.constant 0 : i32
    %dma_start3A_3 = tpu.memref_slice %arg5[%dma_start3A] : memref<1024xi32, #tpu.memory_space<vmem>> -> memref<128xi32, #tpu.memory_space<vmem>>
    %dma_start3A_4 = arith.constant 0 : i32
    %dma_start3A_5 = arith.constant 0 : i32
    %dma_start3A_6 = tpu.memref_slice %arg2[%dma_start3A_4, %dma_start3A_5] : memref<1024x256xf32, #tpu.memory_space<hbm>> -> memref<1024x256xf32, #tpu.memory_space<hbm>>
    tpu.enqueue_indirect_dma source(%dma_start3A_6 : memref<1024x256xf32, #tpu.memory_space<hbm>>) target(%arg6 : memref<128x256xf32, #tpu.memory_space<vmem>>) offsets(%dma_start3A_3 : memref<128xi32, #tpu.memory_space<vmem>>) semaphore(%arg8 : memref<!tpu.dma_semaphore, #tpu.memory_space<semaphore_mem>>)
    %dma_start3A_7 = arith.constant 128 : i32
    %dma_start3A_8 = tpu.memref_slice %arg5[%dma_start3A_7] : memref<1024xi32, #tpu.memory_space<vmem>> -> memref<128xi32, #tpu.memory_space<vmem>>
    %dma_start3A_9 = arith.constant 0 : i32
    %dma_start3A_10 = arith.constant 0 : i32
    %dma_start3A_11 = tpu.memref_slice %arg2[%dma_start3A_9, %dma_start3A_10] : memref<1024x256xf32, #tpu.memory_space<hbm>> -> memref<1024x256xf32, #tpu.memory_space<hbm>>
    tpu.enqueue_indirect_dma source(%dma_start3A_11 : memref<1024x256xf32, #tpu.memory_space<hbm>>) target(%arg7 : memref<128x256xf32, #tpu.memory_space<vmem>>) offsets(%dma_start3A_8 : memref<128xi32, #tpu.memory_space<vmem>>) semaphore(%arg9 : memref<!tpu.dma_semaphore, #tpu.memory_space<semaphore_mem>>)
    %dma_wait3A = arith.constant 0 : i32
    %dma_wait3A_12 = tpu.memref_slice %arg5[%dma_wait3A] : memref<1024xi32, #tpu.memory_space<vmem>> -> memref<128xi32, #tpu.memory_space<vmem>>
    %dma_wait3A_13 = arith.constant 0 : i32
    %dma_wait3A_14 = arith.constant 0 : i32
    %dma_wait3A_15 = tpu.memref_slice %arg2[%dma_wait3A_13, %dma_wait3A_14] : memref<1024x256xf32, #tpu.memory_space<hbm>> -> memref<1024x256xf32, #tpu.memory_space<hbm>>
    tpu.wait_indirect_dma semaphore(%arg8 : memref<!tpu.dma_semaphore, #tpu.memory_space<semaphore_mem>>) src(%dma_wait3A_15 : memref<1024x256xf32, #tpu.memory_space<hbm>>) dst(%arg6 : memref<128x256xf32, #tpu.memory_space<vmem>>)
    %add3A_16 = arith.constant 0 : i32
    %add3A_17 = arith.addi %mul3A_2, %add3A_16 : i32
    %dma_start3A_18 = arith.constant 0 : i32
    %dma_start3A_19 = tpu.memref_slice %arg4[%add3A_17, %dma_start3A_18] : memref<32768x256xf32, #tpu.memory_space<hbm>> -> memref<128x256xf32, #tpu.memory_space<hbm>>
    %dma_start3A_20 = arith.constant 0 : i32
    %dma_start3A_21 = tpu.memref_slice %arg4[%add3A_17, %dma_start3A_20] : memref<32768x256xf32, #tpu.memory_space<hbm>> -> memref<128x256xf32, #tpu.memory_space<hbm>>
    tpu.enqueue_dma source(%arg6 : memref<128x256xf32, #tpu.memory_space<vmem>>) target(%dma_start3A_21 : memref<128x256xf32, #tpu.memory_space<hbm>>) target_semaphore(%arg10 : memref<!tpu.dma_semaphore, #tpu.memory_space<semaphore_mem>>)
    %dma_wait3A_22 = arith.constant 0 : i32
    %dma_wait3A_23 = tpu.memref_slice %arg4[%add3A_17, %dma_wait3A_22] : memref<32768x256xf32, #tpu.memory_space<hbm>> -> memref<128x256xf32, #tpu.memory_space<hbm>>
    %dma_wait3A_24 = arith.constant 0 : i32
    %dma_wait3A_25 = tpu.memref_slice %arg4[%add3A_17, %dma_wait3A_24] : memref<32768x256xf32, #tpu.memory_space<hbm>> -> memref<128x256xf32, #tpu.memory_space<hbm>>
    tpu.wait_dma2 semaphore(%arg10 : memref<!tpu.dma_semaphore, #tpu.memory_space<semaphore_mem>>) src(%arg6 : memref<128x256xf32, #tpu.memory_space<vmem>>) dst(%dma_wait3A_25 : memref<128x256xf32, #tpu.memory_space<hbm>>)
    %dma_start3A_26 = arith.constant 256 : i32
    %dma_start3A_27 = tpu.memref_slice %arg5[%dma_start3A_26] : memref<1024xi32, #tpu.memory_space<vmem>> -> memref<128xi32, #tpu.memory_space<vmem>>
    %dma_start3A_28 = arith.constant 0 : i32
    %dma_start3A_29 = arith.constant 0 : i32
    %dma_start3A_30 = tpu.memref_slice %arg2[%dma_start3A_28, %dma_start3A_29] : memref<1024x256xf32, #tpu.memory_space<hbm>> -> memref<1024x256xf32, #tpu.memory_space<hbm>>
    tpu.enqueue_indirect_dma source(%dma_start3A_30 : memref<1024x256xf32, #tpu.memory_space<hbm>>) target(%arg6 : memref<128x256xf32, #tpu.memory_space<vmem>>) offsets(%dma_start3A_27 : memref<128xi32, #tpu.memory_space<vmem>>) semaphore(%arg8 : memref<!tpu.dma_semaphore, #tpu.memory_space<semaphore_mem>>)
    %dma_wait3A_31 = arith.constant 128 : i32
    %dma_wait3A_32 = tpu.memref_slice %arg5[%dma_wait3A_31] : memref<1024xi32, #tpu.memory_space<vmem>> -> memref<128xi32, #tpu.memory_space<vmem>>
    %dma_wait3A_33 = arith.constant 0 : i32
    %dma_wait3A_34 = arith.constant 0 : i32
    %dma_wait3A_35 = tpu.memref_slice %arg2[%dma_wait3A_33, %dma_wait3A_34] : memref<1024x256xf32, #tpu.memory_space<hbm>> -> memref<1024x256xf32, #tpu.memory_space<hbm>>
    tpu.wait_indirect_dma semaphore(%arg9 : memref<!tpu.dma_semaphore, #tpu.memory_space<semaphore_mem>>) src(%dma_wait3A_35 : memref<1024x256xf32, #tpu.memory_space<hbm>>) dst(%arg7 : memref<128x256xf32, #tpu.memory_space<vmem>>)
    %add3A_36 = arith.constant 128 : i32
    %add3A_37 = arith.addi %mul3A_2, %add3A_36 : i32
    %dma_start3A_38 = arith.constant 0 : i32
    %dma_start3A_39 = tpu.memref_slice %arg4[%add3A_37, %dma_start3A_38] : memref<32768x256xf32, #tpu.memory_space<hbm>> -> memref<128x256xf32, #tpu.memory_space<hbm>>
    %dma_start3A_40 = arith.constant 0 : i32
    %dma_start3A_41 = tpu.memref_slice %arg4[%add3A_37, %dma_start3A_40] : memref<32768x256xf32, #tpu.memory_space<hbm>> -> memref<128x256xf32, #tpu.memory_space<hbm>>
    tpu.enqueue_dma source(%arg7 : memref<128x256xf32, #tpu.memory_space<vmem>>) target(%dma_start3A_41 : memref<128x256xf32, #tpu.memory_space<hbm>>) target_semaphore(%arg11 : memref<!tpu.dma_semaphore, #tpu.memory_space<semaphore_mem>>)
    %dma_wait3A_42 = arith.constant 0 : i32
    %dma_wait3A_43 = tpu.memref_slice %arg4[%add3A_37, %dma_wait3A_42] : memref<32768x256xf32, #tpu.memory_space<hbm>> -> memref<128x256xf32, #tpu.memory_space<hbm>>
    %dma_wait3A_44 = arith.constant 0 : i32
    %dma_wait3A_45 = tpu.memref_slice %arg4[%add3A_37, %dma_wait3A_44] : memref<32768x256xf32, #tpu.memory_space<hbm>> -> memref<128x256xf32, #tpu.memory_space<hbm>>
    tpu.wait_dma2 semaphore(%arg11 : memref<!tpu.dma_semaphore, #tpu.memory_space<semaphore_mem>>) src(%arg7 : memref<128x256xf32, #tpu.memory_space<vmem>>) dst(%dma_wait3A_45 : memref<128x256xf32, #tpu.memory_space<hbm>>)
    %dma_start3A_46 = arith.constant 384 : i32
    %dma_start3A_47 = tpu.memref_slice %arg5[%dma_start3A_46] : memref<1024xi32, #tpu.memory_space<vmem>> -> memref<128xi32, #tpu.memory_space<vmem>>
    %dma_start3A_48 = arith.constant 0 : i32
    %dma_start3A_49 = arith.constant 0 : i32
    %dma_start3A_50 = tpu.memref_slice %arg2[%dma_start3A_48, %dma_start3A_49] : memref<1024x256xf32, #tpu.memory_space<hbm>> -> memref<1024x256xf32, #tpu.memory_space<hbm>>
    tpu.enqueue_indirect_dma source(%dma_start3A_50 : memref<1024x256xf32, #tpu.memory_space<hbm>>) target(%arg7 : memref<128x256xf32, #tpu.memory_space<vmem>>) offsets(%dma_start3A_47 : memref<128xi32, #tpu.memory_space<vmem>>) semaphore(%arg9 : memref<!tpu.dma_semaphore, #tpu.memory_space<semaphore_mem>>)
    %dma_wait3A_51 = arith.constant 256 : i32
    %dma_wait3A_52 = tpu.memref_slice %arg5[%dma_wait3A_51] : memref<1024xi32, #tpu.memory_space<vmem>> -> memref<128xi32, #tpu.memory_space<vmem>>
    %dma_wait3A_53 = arith.constant 0 : i32
    %dma_wait3A_54 = arith.constant 0 : i32
    %dma_wait3A_55 = tpu.memref_slice %arg2[%dma_wait3A_53, %dma_wait3A_54] : memref<1024x256xf32, #tpu.memory_space<hbm>> -> memref<1024x256xf32, #tpu.memory_space<hbm>>
    tpu.wait_indirect_dma semaphore(%arg8 : memref<!tpu.dma_semaphore, #tpu.memory_space<semaphore_mem>>) src(%dma_wait3A_55 : memref<1024x256xf32, #tpu.memory_space<hbm>>) dst(%arg6 : memref<128x256xf32, #tpu.memory_space<vmem>>)
    %add3A_56 = arith.constant 256 : i32
    %add3A_57 = arith.addi %mul3A_2, %add3A_56 : i32
    %dma_start3A_58 = arith.constant 0 : i32
    %dma_start3A_59 = tpu.memref_slice %arg4[%add3A_57, %dma_start3A_58] : memref<32768x256xf32, #tpu.memory_space<hbm>> -> memref<128x256xf32, #tpu.memory_space<hbm>>
    %dma_start3A_60 = arith.constant 0 : i32
    %dma_start3A_61 = tpu.memref_slice %arg4[%add3A_57, %dma_start3A_60] : memref<32768x256xf32, #tpu.memory_space<hbm>> -> memref<128x256xf32, #tpu.memory_space<hbm>>
    tpu.enqueue_dma source(%arg6 : memref<128x256xf32, #tpu.memory_space<vmem>>) target(%dma_start3A_61 : memref<128x256xf32, #tpu.memory_space<hbm>>) target_semaphore(%arg10 : memref<!tpu.dma_semaphore, #tpu.memory_space<semaphore_mem>>)
    %dma_wait3A_62 = arith.constant 0 : i32
    %dma_wait3A_63 = tpu.memref_slice %arg4[%add3A_57, %dma_wait3A_62] : memref<32768x256xf32, #tpu.memory_space<hbm>> -> memref<128x256xf32, #tpu.memory_space<hbm>>
    %dma_wait3A_64 = arith.constant 0 : i32
    %dma_wait3A_65 = tpu.memref_slice %arg4[%add3A_57, %dma_wait3A_64] : memref<32768x256xf32, #tpu.memory_space<hbm>> -> memref<128x256xf32, #tpu.memory_space<hbm>>
    tpu.wait_dma2 semaphore(%arg10 : memref<!tpu.dma_semaphore, #tpu.memory_space<semaphore_mem>>) src(%arg6 : memref<128x256xf32, #tpu.memory_space<vmem>>) dst(%dma_wait3A_65 : memref<128x256xf32, #tpu.memory_space<hbm>>)
    %dma_start3A_66 = arith.constant 512 : i32
    %dma_start3A_67 = tpu.memref_slice %arg5[%dma_start3A_66] : memref<1024xi32, #tpu.memory_space<vmem>> -> memref<128xi32, #tpu.memory_space<vmem>>
    %dma_start3A_68 = arith.constant 0 : i32
    %dma_start3A_69 = arith.constant 0 : i32
    %dma_start3A_70 = tpu.memref_slice %arg2[%dma_start3A_68, %dma_start3A_69] : memref<1024x256xf32, #tpu.memory_space<hbm>> -> memref<1024x256xf32, #tpu.memory_space<hbm>>
    tpu.enqueue_indirect_dma source(%dma_start3A_70 : memref<1024x256xf32, #tpu.memory_space<hbm>>) target(%arg6 : memref<128x256xf32, #tpu.memory_space<vmem>>) offsets(%dma_start3A_67 : memref<128xi32, #tpu.memory_space<vmem>>) semaphore(%arg8 : memref<!tpu.dma_semaphore, #tpu.memory_space<semaphore_mem>>)
    %dma_wait3A_71 = arith.constant 384 : i32
    %dma_wait3A_72 = tpu.memref_slice %arg5[%dma_wait3A_71] : memref<1024xi32, #tpu.memory_space<vmem>> -> memref<128xi32, #tpu.memory_space<vmem>>
    %dma_wait3A_73 = arith.constant 0 : i32
    %dma_wait3A_74 = arith.constant 0 : i32
    %dma_wait3A_75 = tpu.memref_slice %arg2[%dma_wait3A_73, %dma_wait3A_74] : memref<1024x256xf32, #tpu.memory_space<hbm>> -> memref<1024x256xf32, #tpu.memory_space<hbm>>
    tpu.wait_indirect_dma semaphore(%arg9 : memref<!tpu.dma_semaphore, #tpu.memory_space<semaphore_mem>>) src(%dma_wait3A_75 : memref<1024x256xf32, #tpu.memory_space<hbm>>) dst(%arg7 : memref<128x256xf32, #tpu.memory_space<vmem>>)
    %add3A_76 = arith.constant 384 : i32
    %add3A_77 = arith.addi %mul3A_2, %add3A_76 : i32
    %dma_start3A_78 = arith.constant 0 : i32
    %dma_start3A_79 = tpu.memref_slice %arg4[%add3A_77, %dma_start3A_78] : memref<32768x256xf32, #tpu.memory_space<hbm>> -> memref<128x256xf32, #tpu.memory_space<hbm>>
    %dma_start3A_80 = arith.constant 0 : i32
    %dma_start3A_81 = tpu.memref_slice %arg4[%add3A_77, %dma_start3A_80] : memref<32768x256xf32, #tpu.memory_space<hbm>> -> memref<128x256xf32, #tpu.memory_space<hbm>>
    tpu.enqueue_dma source(%arg7 : memref<128x256xf32, #tpu.memory_space<vmem>>) target(%dma_start3A_81 : memref<128x256xf32, #tpu.memory_space<hbm>>) target_semaphore(%arg11 : memref<!tpu.dma_semaphore, #tpu.memory_space<semaphore_mem>>)
    %dma_wait3A_82 = arith.constant 0 : i32
    %dma_wait3A_83 = tpu.memref_slice %arg4[%add3A_77, %dma_wait3A_82] : memref<32768x256xf32, #tpu.memory_space<hbm>> -> memref<128x256xf32, #tpu.memory_space<hbm>>
    %dma_wait3A_84 = arith.constant 0 : i32
    %dma_wait3A_85 = tpu.memref_slice %arg4[%add3A_77, %dma_wait3A_84] : memref<32768x256xf32, #tpu.memory_space<hbm>> -> memref<128x256xf32, #tpu.memory_space<hbm>>
    tpu.wait_dma2 semaphore(%arg11 : memref<!tpu.dma_semaphore, #tpu.memory_space<semaphore_mem>>) src(%arg7 : memref<128x256xf32, #tpu.memory_space<vmem>>) dst(%dma_wait3A_85 : memref<128x256xf32, #tpu.memory_space<hbm>>)
    %dma_start3A_86 = arith.constant 640 : i32
    %dma_start3A_87 = tpu.memref_slice %arg5[%dma_start3A_86] : memref<1024xi32, #tpu.memory_space<vmem>> -> memref<128xi32, #tpu.memory_space<vmem>>
    %dma_start3A_88 = arith.constant 0 : i32
    %dma_start3A_89 = arith.constant 0 : i32
    %dma_start3A_90 = tpu.memref_slice %arg2[%dma_start3A_88, %dma_start3A_89] : memref<1024x256xf32, #tpu.memory_space<hbm>> -> memref<1024x256xf32, #tpu.memory_space<hbm>>
    tpu.enqueue_indirect_dma source(%dma_start3A_90 : memref<1024x256xf32, #tpu.memory_space<hbm>>) target(%arg7 : memref<128x256xf32, #tpu.memory_space<vmem>>) offsets(%dma_start3A_87 : memref<128xi32, #tpu.memory_space<vmem>>) semaphore(%arg9 : memref<!tpu.dma_semaphore, #tpu.memory_space<semaphore_mem>>)
    %dma_wait3A_91 = arith.constant 512 : i32
    %dma_wait3A_92 = tpu.memref_slice %arg5[%dma_wait3A_91] : memref<1024xi32, #tpu.memory_space<vmem>> -> memref<128xi32, #tpu.memory_space<vmem>>
    %dma_wait3A_93 = arith.constant 0 : i32
    %dma_wait3A_94 = arith.constant 0 : i32
    %dma_wait3A_95 = tpu.memref_slice %arg2[%dma_wait3A_93, %dma_wait3A_94] : memref<1024x256xf32, #tpu.memory_space<hbm>> -> memref<1024x256xf32, #tpu.memory_space<hbm>>
    tpu.wait_indirect_dma semaphore(%arg8 : memref<!tpu.dma_semaphore, #tpu.memory_space<semaphore_mem>>) src(%dma_wait3A_95 : memref<1024x256xf32, #tpu.memory_space<hbm>>) dst(%arg6 : memref<128x256xf32, #tpu.memory_space<vmem>>)
    %add3A_96 = arith.constant 512 : i32
    %add3A_97 = arith.addi %mul3A_2, %add3A_96 : i32
    %dma_start3A_98 = arith.constant 0 : i32
    %dma_start3A_99 = tpu.memref_slice %arg4[%add3A_97, %dma_start3A_98] : memref<32768x256xf32, #tpu.memory_space<hbm>> -> memref<128x256xf32, #tpu.memory_space<hbm>>
    %dma_start3A_100 = arith.constant 0 : i32
    %dma_start3A_101 = tpu.memref_slice %arg4[%add3A_97, %dma_start3A_100] : memref<32768x256xf32, #tpu.memory_space<hbm>> -> memref<128x256xf32, #tpu.memory_space<hbm>>
    tpu.enqueue_dma source(%arg6 : memref<128x256xf32, #tpu.memory_space<vmem>>) target(%dma_start3A_101 : memref<128x256xf32, #tpu.memory_space<hbm>>) target_semaphore(%arg10 : memref<!tpu.dma_semaphore, #tpu.memory_space<semaphore_mem>>)
    %dma_wait3A_102 = arith.constant 0 : i32
    %dma_wait3A_103 = tpu.memref_slice %arg4[%add3A_97, %dma_wait3A_102] : memref<32768x256xf32, #tpu.memory_space<hbm>> -> memref<128x256xf32, #tpu.memory_space<hbm>>
    %dma_wait3A_104 = arith.constant 0 : i32
    %dma_wait3A_105 = tpu.memref_slice %arg4[%add3A_97, %dma_wait3A_104] : memref<32768x256xf32, #tpu.memory_space<hbm>> -> memref<128x256xf32, #tpu.memory_space<hbm>>
    tpu.wait_dma2 semaphore(%arg10 : memref<!tpu.dma_semaphore, #tpu.memory_space<semaphore_mem>>) src(%arg6 : memref<128x256xf32, #tpu.memory_space<vmem>>) dst(%dma_wait3A_105 : memref<128x256xf32, #tpu.memory_space<hbm>>)
    %dma_start3A_106 = arith.constant 768 : i32
    %dma_start3A_107 = tpu.memref_slice %arg5[%dma_start3A_106] : memref<1024xi32, #tpu.memory_space<vmem>> -> memref<128xi32, #tpu.memory_space<vmem>>
    %dma_start3A_108 = arith.constant 0 : i32
    %dma_start3A_109 = arith.constant 0 : i32
    %dma_start3A_110 = tpu.memref_slice %arg2[%dma_start3A_108, %dma_start3A_109] : memref<1024x256xf32, #tpu.memory_space<hbm>> -> memref<1024x256xf32, #tpu.memory_space<hbm>>
    tpu.enqueue_indirect_dma source(%dma_start3A_110 : memref<1024x256xf32, #tpu.memory_space<hbm>>) target(%arg6 : memref<128x256xf32, #tpu.memory_space<vmem>>) offsets(%dma_start3A_107 : memref<128xi32, #tpu.memory_space<vmem>>) semaphore(%arg8 : memref<!tpu.dma_semaphore, #tpu.memory_space<semaphore_mem>>)
    %dma_wait3A_111 = arith.constant 640 : i32
    %dma_wait3A_112 = tpu.memref_slice %arg5[%dma_wait3A_111] : memref<1024xi32, #tpu.memory_space<vmem>> -> memref<128xi32, #tpu.memory_space<vmem>>
    %dma_wait3A_113 = arith.constant 0 : i32
    %dma_wait3A_114 = arith.constant 0 : i32
    %dma_wait3A_115 = tpu.memref_slice %arg2[%dma_wait3A_113, %dma_wait3A_114] : memref<1024x256xf32, #tpu.memory_space<hbm>> -> memref<1024x256xf32, #tpu.memory_space<hbm>>
    tpu.wait_indirect_dma semaphore(%arg9 : memref<!tpu.dma_semaphore, #tpu.memory_space<semaphore_mem>>) src(%dma_wait3A_115 : memref<1024x256xf32, #tpu.memory_space<hbm>>) dst(%arg7 : memref<128x256xf32, #tpu.memory_space<vmem>>)
    %add3A_116 = arith.constant 640 : i32
    %add3A_117 = arith.addi %mul3A_2, %add3A_116 : i32
    %dma_start3A_118 = arith.constant 0 : i32
    %dma_start3A_119 = tpu.memref_slice %arg4[%add3A_117, %dma_start3A_118] : memref<32768x256xf32, #tpu.memory_space<hbm>> -> memref<128x256xf32, #tpu.memory_space<hbm>>
    %dma_start3A_120 = arith.constant 0 : i32
    %dma_start3A_121 = tpu.memref_slice %arg4[%add3A_117, %dma_start3A_120] : memref<32768x256xf32, #tpu.memory_space<hbm>> -> memref<128x256xf32, #tpu.memory_space<hbm>>
    tpu.enqueue_dma source(%arg7 : memref<128x256xf32, #tpu.memory_space<vmem>>) target(%dma_start3A_121 : memref<128x256xf32, #tpu.memory_space<hbm>>) target_semaphore(%arg11 : memref<!tpu.dma_semaphore, #tpu.memory_space<semaphore_mem>>)
    %dma_wait3A_122 = arith.constant 0 : i32
    %dma_wait3A_123 = tpu.memref_slice %arg4[%add3A_117, %dma_wait3A_122] : memref<32768x256xf32, #tpu.memory_space<hbm>> -> memref<128x256xf32, #tpu.memory_space<hbm>>
    %dma_wait3A_124 = arith.constant 0 : i32
    %dma_wait3A_125 = tpu.memref_slice %arg4[%add3A_117, %dma_wait3A_124] : memref<32768x256xf32, #tpu.memory_space<hbm>> -> memref<128x256xf32, #tpu.memory_space<hbm>>
    tpu.wait_dma2 semaphore(%arg11 : memref<!tpu.dma_semaphore, #tpu.memory_space<semaphore_mem>>) src(%arg7 : memref<128x256xf32, #tpu.memory_space<vmem>>) dst(%dma_wait3A_125 : memref<128x256xf32, #tpu.memory_space<hbm>>)
    %dma_start3A_126 = arith.constant 896 : i32
    %dma_start3A_127 = tpu.memref_slice %arg5[%dma_start3A_126] : memref<1024xi32, #tpu.memory_space<vmem>> -> memref<128xi32, #tpu.memory_space<vmem>>
    %dma_start3A_128 = arith.constant 0 : i32
    %dma_start3A_129 = arith.constant 0 : i32
    %dma_start3A_130 = tpu.memref_slice %arg2[%dma_start3A_128, %dma_start3A_129] : memref<1024x256xf32, #tpu.memory_space<hbm>> -> memref<1024x256xf32, #tpu.memory_space<hbm>>
    tpu.enqueue_indirect_dma source(%dma_start3A_130 : memref<1024x256xf32, #tpu.memory_space<hbm>>) target(%arg7 : memref<128x256xf32, #tpu.memory_space<vmem>>) offsets(%dma_start3A_127 : memref<128xi32, #tpu.memory_space<vmem>>) semaphore(%arg9 : memref<!tpu.dma_semaphore, #tpu.memory_space<semaphore_mem>>)
    %dma_wait3A_131 = arith.constant 768 : i32
    %dma_wait3A_132 = tpu.memref_slice %arg5[%dma_wait3A_131] : memref<1024xi32, #tpu.memory_space<vmem>> -> memref<128xi32, #tpu.memory_space<vmem>>
    %dma_wait3A_133 = arith.constant 0 : i32
    %dma_wait3A_134 = arith.constant 0 : i32
    %dma_wait3A_135 = tpu.memref_slice %arg2[%dma_wait3A_133, %dma_wait3A_134] : memref<1024x256xf32, #tpu.memory_space<hbm>> -> memref<1024x256xf32, #tpu.memory_space<hbm>>
    tpu.wait_indirect_dma semaphore(%arg8 : memref<!tpu.dma_semaphore, #tpu.memory_space<semaphore_mem>>) src(%dma_wait3A_135 : memref<1024x256xf32, #tpu.memory_space<hbm>>) dst(%arg6 : memref<128x256xf32, #tpu.memory_space<vmem>>)
    %add3A_136 = arith.constant 768 : i32
    %add3A_137 = arith.addi %mul3A_2, %add3A_136 : i32
    %dma_start3A_138 = arith.constant 0 : i32
    %dma_start3A_139 = tpu.memref_slice %arg4[%add3A_137, %dma_start3A_138] : memref<32768x256xf32, #tpu.memory_space<hbm>> -> memref<128x256xf32, #tpu.memory_space<hbm>>
    %dma_start3A_140 = arith.constant 0 : i32
    %dma_start3A_141 = tpu.memref_slice %arg4[%add3A_137, %dma_start3A_140] : memref<32768x256xf32, #tpu.memory_space<hbm>> -> memref<128x256xf32, #tpu.memory_space<hbm>>
    tpu.enqueue_dma source(%arg6 : memref<128x256xf32, #tpu.memory_space<vmem>>) target(%dma_start3A_141 : memref<128x256xf32, #tpu.memory_space<hbm>>) target_semaphore(%arg10 : memref<!tpu.dma_semaphore, #tpu.memory_space<semaphore_mem>>)
    %dma_wait3A_142 = arith.constant 896 : i32
    %dma_wait3A_143 = tpu.memref_slice %arg5[%dma_wait3A_142] : memref<1024xi32, #tpu.memory_space<vmem>> -> memref<128xi32, #tpu.memory_space<vmem>>
    %dma_wait3A_144 = arith.constant 0 : i32
    %dma_wait3A_145 = arith.constant 0 : i32
    %dma_wait3A_146 = tpu.memref_slice %arg2[%dma_wait3A_144, %dma_wait3A_145] : memref<1024x256xf32, #tpu.memory_space<hbm>> -> memref<1024x256xf32, #tpu.memory_space<hbm>>
    tpu.wait_indirect_dma semaphore(%arg9 : memref<!tpu.dma_semaphore, #tpu.memory_space<semaphore_mem>>) src(%dma_wait3A_146 : memref<1024x256xf32, #tpu.memory_space<hbm>>) dst(%arg7 : memref<128x256xf32, #tpu.memory_space<vmem>>)
    %add3A_147 = arith.constant 896 : i32
    %add3A_148 = arith.addi %mul3A_2, %add3A_147 : i32
    %dma_start3A_149 = arith.constant 0 : i32
    %dma_start3A_150 = tpu.memref_slice %arg4[%add3A_148, %dma_start3A_149] : memref<32768x256xf32, #tpu.memory_space<hbm>> -> memref<128x256xf32, #tpu.memory_space<hbm>>
    %dma_start3A_151 = arith.constant 0 : i32
    %dma_start3A_152 = tpu.memref_slice %arg4[%add3A_148, %dma_start3A_151] : memref<32768x256xf32, #tpu.memory_space<hbm>> -> memref<128x256xf32, #tpu.memory_space<hbm>>
    tpu.enqueue_dma source(%arg7 : memref<128x256xf32, #tpu.memory_space<vmem>>) target(%dma_start3A_152 : memref<128x256xf32, #tpu.memory_space<hbm>>) target_semaphore(%arg11 : memref<!tpu.dma_semaphore, #tpu.memory_space<semaphore_mem>>)
    %dma_wait3A_153 = arith.constant 0 : i32
    %dma_wait3A_154 = tpu.memref_slice %arg4[%add3A_148, %dma_wait3A_153] : memref<32768x256xf32, #tpu.memory_space<hbm>> -> memref<128x256xf32, #tpu.memory_space<hbm>>
    %dma_wait3A_155 = arith.constant 0 : i32
    %dma_wait3A_156 = tpu.memref_slice %arg4[%add3A_148, %dma_wait3A_155] : memref<32768x256xf32, #tpu.memory_space<hbm>> -> memref<128x256xf32, #tpu.memory_space<hbm>>
    tpu.wait_dma2 semaphore(%arg11 : memref<!tpu.dma_semaphore, #tpu.memory_space<semaphore_mem>>) src(%arg7 : memref<128x256xf32, #tpu.memory_space<vmem>>) dst(%dma_wait3A_156 : memref<128x256xf32, #tpu.memory_space<hbm>>)
    %dma_wait3A_157 = arith.constant 0 : i32
    %dma_wait3A_158 = tpu.memref_slice %arg4[%add3A_137, %dma_wait3A_157] : memref<32768x256xf32, #tpu.memory_space<hbm>> -> memref<128x256xf32, #tpu.memory_space<hbm>>
    %dma_wait3A_159 = arith.constant 0 : i32
    %dma_wait3A_160 = tpu.memref_slice %arg4[%add3A_137, %dma_wait3A_159] : memref<32768x256xf32, #tpu.memory_space<hbm>> -> memref<128x256xf32, #tpu.memory_space<hbm>>
    tpu.wait_dma2 semaphore(%arg10 : memref<!tpu.dma_semaphore, #tpu.memory_space<semaphore_mem>>) src(%arg6 : memref<128x256xf32, #tpu.memory_space<vmem>>) dst(%dma_wait3A_160 : memref<128x256xf32, #tpu.memory_space<hbm>>)
    return
  }
}

module attributes {stable_mosaic.version = 14 : i64} {
  func.func @_stage_b_body(%arg0: i32, %arg1: memref<2048x256xf32, #tpu.memory_space<vmem>>, %arg2: memref<2048x256xf32, #tpu.memory_space<vmem>>, %arg3: memref<256x512xf32, #tpu.memory_space<vmem>>, %arg4: memref<1x512xf32, #tpu.memory_space<vmem>>, %arg5: memref<1x512xf32, #tpu.memory_space<vmem>>, %arg6: memref<2048x512xf32, #tpu.memory_space<vmem>>, %arg7: memref<1x1x1xf32, #tpu.memory_space<vmem>>, %arg8: memref<256x512xf32, #tpu.memory_space<vmem>>) attributes {dimension_semantics = [#tpu.dimension_semantics<arbitrary>], iteration_bounds = array<i64: 16>, scalar_prefetch = 0 : i64, scratch_operands = 1 : i64, tpu.core_type = #tpu.core_type<tc>, window_params = [{transform_indices = @transform_0, window_bounds = array<i64: 2048, 256>}, {transform_indices = @transform_1, window_bounds = array<i64: 2048, 256>}, {pipeline_mode = #tpu.pipeline_mode<synchronous>, transform_indices = @transform_2, window_bounds = array<i64: 256, 512>}, {pipeline_mode = #tpu.pipeline_mode<synchronous>, transform_indices = @transform_3, window_bounds = array<i64: 1, 512>}, {pipeline_mode = #tpu.pipeline_mode<synchronous>, transform_indices = @transform_4, window_bounds = array<i64: 1, 512>}, {transform_indices = @transform_5, window_bounds = array<i64: 2048, 512>}, {transform_indices = @transform_6, window_bounds = array<i64: 1, 1, 1>}]} {
    %eq3A = arith.constant 0 : i32
    %eq3A_0 = arith.cmpi eq, %arg0, %eq3A : i32
    %convert_element_type3A = arith.extui %eq3A_0 : i1 to i32
    %cond3A = arith.constant 0 : i32
    %cond3A_1 = arith.cmpi ne, %convert_element_type3A, %cond3A : i32
    scf.if %cond3A_1 {
      %get3A_27 = arith.constant 0 : index
      %get3A_28 = arith.constant 0 : index
      %get3A_29 = vector.load %arg3[%get3A_27, %get3A_28] : memref<256x512xf32, #tpu.memory_space<vmem>>, vector<256x512xf32>
      %mul3A_30 = arith.mulf %get3A_29, %get3A_29 : vector<256x512xf32>
      %reduce_sum3A_31 = arith.constant dense<0.000000e+00> : vector<512xf32>
      %reduce_sum3A_32 = vector.multi_reduction <add>, %mul3A_30, %reduce_sum3A_31 [0] : vector<256x512xf32> to vector<512xf32>
      %broadcast_in_dim3A = vector.shape_cast %reduce_sum3A_32 : vector<512xf32> to vector<1x512xf32>
      %sqrt3A = math.sqrt %broadcast_in_dim3A : vector<1x512xf32>
      %get3A_33 = arith.constant 0 : index
      %get3A_34 = arith.constant 0 : index
      %get3A_35 = vector.load %arg4[%get3A_33, %get3A_34] : memref<1x512xf32, #tpu.memory_space<vmem>>, vector<1x512xf32>
      %mul3A_36 = vector.broadcast %get3A_35 : vector<1x512xf32> to vector<256x512xf32>
      %mul3A_37 = arith.mulf %mul3A_36, %get3A_29 : vector<256x512xf32>
      %max3A = arith.constant 9.99999996E-13 : f32
      %max3A_38 = vector.broadcast %max3A : f32 to vector<1x512xf32>
      %max3A_39 = arith.maximumf %sqrt3A, %max3A_38 : vector<1x512xf32>
      %div3A = vector.broadcast %max3A_39 : vector<1x512xf32> to vector<256x512xf32>
      %div3A_40 = arith.divf %mul3A_37, %div3A : vector<256x512xf32>
      %swap3A_41 = arith.constant 0 : index
      %swap3A_42 = arith.constant 0 : index
      %swap3A_43 = vector.load %arg8[%swap3A_41, %swap3A_42] : memref<256x512xf32, #tpu.memory_space<vmem>>, vector<256x512xf32>
      tpu.vector_store %arg8[%swap3A_41, %swap3A_42], %div3A_40 {strides = array<i32>} : memref<256x512xf32, #tpu.memory_space<vmem>>, vector<256x512xf32>,
    } else {
    }
    %get3A = arith.constant 0 : index
    %get3A_2 = arith.constant 0 : index
    %get3A_3 = vector.load %arg2[%get3A, %get3A_2] : memref<2048x256xf32, #tpu.memory_space<vmem>>, vector<2048x256xf32>
    %get3A_4 = arith.constant 0 : index
    %get3A_5 = arith.constant 0 : index
    %get3A_6 = vector.load %arg1[%get3A_4, %get3A_5] : memref<2048x256xf32, #tpu.memory_space<vmem>>, vector<2048x256xf32>
    %get3A_7 = arith.constant 0 : index
    %get3A_8 = arith.constant 0 : index
    %get3A_9 = vector.load %arg8[%get3A_7, %get3A_8] : memref<256x512xf32, #tpu.memory_space<vmem>>, vector<256x512xf32>
    %dot_general3A = arith.constant dense<0.000000e+00> : vector<2048x512xf32>
    %dot_general3A_10 = tpu.matmul %get3A_3, %get3A_9, %dot_general3A {dimension_numbers = #tpu.dot_dimension_numbers<[1], [0], [0], [1], [0, 0, 1, 1], [], []>, transpose_lhs_hint = false} : vector<2048x256xf32>, vector<256x512xf32>, vector<2048x512xf32> -> vector<2048x512xf32>
    %get3A_11 = arith.constant 0 : index
    %get3A_12 = arith.constant 0 : index
    %get3A_13 = vector.load %arg5[%get3A_11, %get3A_12] : memref<1x512xf32, #tpu.memory_space<vmem>>, vector<1x512xf32>
    %add3A = vector.broadcast %get3A_13 : vector<1x512xf32> to vector<2048x512xf32>
    %add3A_14 = arith.addf %dot_general3A_10, %add3A : vector<2048x512xf32>
    %swap3A = arith.constant 0 : index
    %swap3A_15 = arith.constant 0 : index
    %swap3A_16 = vector.load %arg6[%swap3A, %swap3A_15] : memref<2048x512xf32, #tpu.memory_space<vmem>>, vector<2048x512xf32>
    tpu.vector_store %arg6[%swap3A, %swap3A_15], %add3A_14 {strides = array<i32>} : memref<2048x512xf32, #tpu.memory_space<vmem>>, vector<2048x512xf32>,
    %sub3A = arith.subf %get3A_6, %get3A_3 : vector<2048x256xf32>
    %mul3A = arith.mulf %sub3A, %sub3A : vector<2048x256xf32>
    %reduce_sum3A = vector.shape_cast %mul3A : vector<2048x256xf32> to vector<1x2048x256xf32>
    %reduce_sum3A_17 = arith.constant dense<0.000000e+00> : vector<1xf32>
    %reduce_sum3A_18 = vector.multi_reduction <add>, %reduce_sum3A, %reduce_sum3A_17 [1, 2] : vector<1x2048x256xf32> to vector<1xf32>
    %reduce_sum3A_19 = vector.shape_cast %reduce_sum3A_18 : vector<1xf32> to vector<1x1x1xf32>
    %reduce_sum3A_20 = vector.extract %reduce_sum3A_19[0, 0, 0] : f32 from vector<1x1x1xf32>
    %mul3A_21 = arith.constant 1.90734863E-6 : f32
    %mul3A_22 = arith.mulf %reduce_sum3A_20, %mul3A_21 : f32
    %reshape3A = vector.broadcast %mul3A_22 : f32 to vector<1x1x1xf32>
    %swap3A_23 = arith.constant 0 : index
    %swap3A_24 = arith.constant 0 : index
    %swap3A_25 = arith.constant 0 : index
    %swap3A_26 = vector.load %arg7[%swap3A_23, %swap3A_24, %swap3A_25] : memref<1x1x1xf32, #tpu.memory_space<vmem>>, vector<1x1x1xf32>
    tpu.vector_store %arg7[%swap3A_23, %swap3A_24, %swap3A_25], %reshape3A {strides = array<i32>} : memref<1x1x1xf32, #tpu.memory_space<vmem>>, vector<1x1x1xf32>,
    return
  }
  func.func @transform_0(%arg0: i32) -> (i32, i32) {
    %c0_i32 = arith.constant 0 : i32
    %c0_i32_0 = arith.constant 0 : i32
    return %arg0, %c0_i32 : i32, i32
  }
  func.func @transform_1(%arg0: i32) -> (i32, i32) {
    %c0_i32 = arith.constant 0 : i32
    %c0_i32_0 = arith.constant 0 : i32
    return %arg0, %c0_i32 : i32, i32
  }
  func.func @transform_2(%arg0: i32) -> (i32, i32) {
    %c0_i32 = arith.constant 0 : i32
    %c0_i32_0 = arith.constant 0 : i32
    %c0_i32_1 = arith.constant 0 : i32
    return %c0_i32, %c0_i32_0 : i32, i32
  }
  func.func @transform_3(%arg0: i32) -> (i32, i32) {
    %c0_i32 = arith.constant 0 : i32
    %c0_i32_0 = arith.constant 0 : i32
    %c0_i32_1 = arith.constant 0 : i32
    return %c0_i32, %c0_i32_0 : i32, i32
  }
  func.func @transform_4(%arg0: i32) -> (i32, i32) {
    %c0_i32 = arith.constant 0 : i32
    %c0_i32_0 = arith.constant 0 : i32
    %c0_i32_1 = arith.constant 0 : i32
    return %c0_i32, %c0_i32_0 : i32, i32
  }
  func.func @transform_5(%arg0: i32) -> (i32, i32) {
    %c0_i32 = arith.constant 0 : i32
    %c0_i32_0 = arith.constant 0 : i32
    return %arg0, %c0_i32 : i32, i32
  }
  func.func @transform_6(%arg0: i32) -> (i32, i32, i32) {
    %c0_i32 = arith.constant 0 : i32
    %c0_i32_0 = arith.constant 0 : i32
    %c0_i32_1 = arith.constant 0 : i32
    return %arg0, %c0_i32, %c0_i32_0 : i32, i32, i32
  }
}

module attributes {stable_mosaic.version = 14 : i64} {
  func.func @_stage_a_body(%arg0: i32, %arg1: memref<1024x512xf32, #tpu.memory_space<vmem>>, %arg2: memref<512x256xf32, #tpu.memory_space<vmem>>, %arg3: memref<1x256xf32, #tpu.memory_space<vmem>>, %arg4: memref<1x256xf32, #tpu.memory_space<vmem>>, %arg5: memref<1024x256xf32, #tpu.memory_space<vmem>>, %arg6: memref<1x256xf32, #tpu.memory_space<vmem>>, %arg7: memref<1x256xf32, #tpu.memory_space<vmem>>, %arg8: memref<1024x256xf32, #tpu.memory_space<vmem>>, %arg9: memref<1024x1xi32, #tpu.memory_space<vmem>>, %arg10: memref<512x256xf32, #tpu.memory_space<vmem>>, %arg11: memref<1024x256xf32, #tpu.memory_space<vmem>>, %arg12: memref<1x1024xf32, #tpu.memory_space<vmem>>, %arg13: memref<1024x1024xf32, #tpu.memory_space<vmem>>) attributes {dimension_semantics = [#tpu.dimension_semantics<arbitrary>], iteration_bounds = array<i64: 32>, scalar_prefetch = 0 : i64, scratch_operands = 4 : i64, tpu.core_type = #tpu.core_type<tc>, window_params = [{transform_indices = @transform_0, window_bounds = array<i64: 1024, 512>}, {pipeline_mode = #tpu.pipeline_mode<synchronous>, transform_indices = @transform_1, window_bounds = array<i64: 512, 256>}, {pipeline_mode = #tpu.pipeline_mode<synchronous>, transform_indices = @transform_2, window_bounds = array<i64: 1, 256>}, {pipeline_mode = #tpu.pipeline_mode<synchronous>, transform_indices = @transform_3, window_bounds = array<i64: 1, 256>}, {pipeline_mode = #tpu.pipeline_mode<synchronous>, transform_indices = @transform_4, window_bounds = array<i64: 1024, 256>}, {pipeline_mode = #tpu.pipeline_mode<synchronous>, transform_indices = @transform_5, window_bounds = array<i64: 1, 256>}, {pipeline_mode = #tpu.pipeline_mode<synchronous>, transform_indices = @transform_6, window_bounds = array<i64: 1, 256>}, {transform_indices = @transform_7, window_bounds = array<i64: 1024, 256>}, {transform_indices = @transform_8, window_bounds = array<i64: 1024, 1>}]} {
    %eq3A = arith.constant 0 : i32
    %eq3A_0 = arith.cmpi eq, %arg0, %eq3A : i32
    %convert_element_type3A = arith.extui %eq3A_0 : i1 to i32
    %cond3A = arith.constant 0 : i32
    %cond3A_1 = arith.cmpi ne, %convert_element_type3A, %cond3A : i32
    scf.if %cond3A_1 {
      %get3A_107 = arith.constant 0 : index
      %get3A_108 = arith.constant 0 : index
      %get3A_109 = vector.load %arg2[%get3A_107, %get3A_108] : memref<512x256xf32, #tpu.memory_space<vmem>>, vector<512x256xf32>
      %mul3A_110 = arith.mulf %get3A_109, %get3A_109 : vector<512x256xf32>
      %reduce_sum3A_111 = arith.constant dense<0.000000e+00> : vector<256xf32>
      %reduce_sum3A_112 = vector.multi_reduction <add>, %mul3A_110, %reduce_sum3A_111 [0] : vector<512x256xf32> to vector<256xf32>
      %broadcast_in_dim3A_113 = vector.shape_cast %reduce_sum3A_112 : vector<256xf32> to vector<1x256xf32>
      %sqrt3A_114 = math.sqrt %broadcast_in_dim3A_113 : vector<1x256xf32>
      %get3A_115 = arith.constant 0 : index
      %get3A_116 = arith.constant 0 : index
      %get3A_117 = vector.load %arg3[%get3A_115, %get3A_116] : memref<1x256xf32, #tpu.memory_space<vmem>>, vector<1x256xf32>
      %mul3A_118 = vector.broadcast %get3A_117 : vector<1x256xf32> to vector<512x256xf32>
      %mul3A_119 = arith.mulf %mul3A_118, %get3A_109 : vector<512x256xf32>
      %max3A_120 = arith.constant 9.99999996E-13 : f32
      %max3A_121 = vector.broadcast %max3A_120 : f32 to vector<1x256xf32>
      %max3A_122 = arith.maximumf %sqrt3A_114, %max3A_121 : vector<1x256xf32>
      %div3A_123 = vector.broadcast %max3A_122 : vector<1x256xf32> to vector<512x256xf32>
      %div3A_124 = arith.divf %mul3A_119, %div3A_123 : vector<512x256xf32>
      %swap3A_125 = arith.constant 0 : index
      %swap3A_126 = arith.constant 0 : index
      %swap3A_127 = vector.load %arg10[%swap3A_125, %swap3A_126] : memref<512x256xf32, #tpu.memory_space<vmem>>, vector<512x256xf32>
      tpu.vector_store %arg10[%swap3A_125, %swap3A_126], %div3A_124 {strides = array<i32>} : memref<512x256xf32, #tpu.memory_space<vmem>>, vector<512x256xf32>,
      %get3A_128 = arith.constant 0 : index
      %get3A_129 = arith.constant 0 : index
      %get3A_130 = vector.load %arg5[%get3A_128, %get3A_129] : memref<1024x256xf32, #tpu.memory_space<vmem>>, vector<1024x256xf32>
      %mul3A_131 = arith.mulf %get3A_130, %get3A_130 : vector<1024x256xf32>
      %reduce_sum3A_132 = arith.constant dense<0.000000e+00> : vector<1024xf32>
      %reduce_sum3A_133 = vector.multi_reduction <add>, %mul3A_131, %reduce_sum3A_132 [1] : vector<1024x256xf32> to vector<1024xf32>
      %broadcast_in_dim3A_134 = vector.shape_cast %reduce_sum3A_133 : vector<1024xf32> to vector<1024x1xf32>
      %sqrt3A_135 = math.sqrt %broadcast_in_dim3A_134 : vector<1024x1xf32>
      %max3A_136 = arith.constant 9.99999996E-13 : f32
      %max3A_137 = vector.broadcast %max3A_136 : f32 to vector<1024x1xf32>
      %max3A_138 = arith.maximumf %sqrt3A_135, %max3A_137 : vector<1024x1xf32>
      %div3A_139 = vector.broadcast %max3A_138 : vector<1024x1xf32> to vector<1024x256xf32>
      %div3A_140 = arith.divf %get3A_130, %div3A_139 : vector<1024x256xf32>
      %get3A_141 = arith.constant 0 : index
      %get3A_142 = arith.constant 0 : index
      %get3A_143 = vector.load %arg6[%get3A_141, %get3A_142] : memref<1x256xf32, #tpu.memory_space<vmem>>, vector<1x256xf32>
      %mul3A_144 = vector.broadcast %get3A_143 : vector<1x256xf32> to vector<1024x256xf32>
      %mul3A_145 = arith.mulf %div3A_140, %mul3A_144 : vector<1024x256xf32>
      %get3A_146 = arith.constant 0 : index
      %get3A_147 = arith.constant 0 : index
      %get3A_148 = vector.load %arg7[%get3A_146, %get3A_147] : memref<1x256xf32, #tpu.memory_space<vmem>>, vector<1x256xf32>
      %add3A_149 = vector.broadcast %get3A_148 : vector<1x256xf32> to vector<1024x256xf32>
      %add3A_150 = arith.addf %mul3A_145, %add3A_149 : vector<1024x256xf32>
      %swap3A_151 = arith.constant 0 : index
      %swap3A_152 = arith.constant 0 : index
      %swap3A_153 = vector.load %arg11[%swap3A_151, %swap3A_152] : memref<1024x256xf32, #tpu.memory_space<vmem>>, vector<1024x256xf32>
      tpu.vector_store %arg11[%swap3A_151, %swap3A_152], %add3A_150 {strides = array<i32>} : memref<1024x256xf32, #tpu.memory_space<vmem>>, vector<1024x256xf32>,
      %broadcast_in_dim3A_154 = arith.constant 1.000000e+00 : f32
      %broadcast_in_dim3A_155 = vector.broadcast %broadcast_in_dim3A_154 : f32 to vector<1x256xf32>
      %mul3A_156 = arith.mulf %add3A_150, %add3A_150 : vector<1024x256xf32>
      %dot_general3A_157 = arith.constant dense<0.000000e+00> : vector<1x1024xf32>
      %dot_general3A_158 = tpu.matmul %broadcast_in_dim3A_155, %mul3A_156, %dot_general3A_157 {dimension_numbers = #tpu.dot_dimension_numbers<[1], [1], [0], [0], [0, 0, 1, 0], [], []>, precision = #tpu.contract_precision<fp32>, transpose_lhs_hint = false} : vector<1x256xf32>, vector<1024x256xf32>, vector<1x1024xf32> -> vector<1x1024xf32>
      %swap3A_159 = arith.constant 0 : index
      %swap3A_160 = arith.constant 0 : index
      %swap3A_161 = vector.load %arg12[%swap3A_159, %swap3A_160] : memref<1x1024xf32, #tpu.memory_space<vmem>>, vector<1x1024xf32>
      tpu.vector_store %arg12[%swap3A_159, %swap3A_160], %dot_general3A_158 {strides = array<i32>} : memref<1x1024xf32, #tpu.memory_space<vmem>>, vector<1x1024xf32>,
    } else {
    }
    %get3A = arith.constant 0 : index
    %get3A_2 = arith.constant 0 : index
    %get3A_3 = vector.load %arg1[%get3A, %get3A_2] : memref<1024x512xf32, #tpu.memory_space<vmem>>, vector<1024x512xf32>
    %get3A_4 = arith.constant 0 : index
    %get3A_5 = arith.constant 0 : index
    %get3A_6 = vector.load %arg10[%get3A_4, %get3A_5] : memref<512x256xf32, #tpu.memory_space<vmem>>, vector<512x256xf32>
    %dot_general3A = arith.constant dense<0.000000e+00> : vector<1024x256xf32>
    %dot_general3A_7 = tpu.matmul %get3A_3, %get3A_6, %dot_general3A {dimension_numbers = #tpu.dot_dimension_numbers<[1], [0], [0], [1], [0, 0, 1, 1], [], []>, transpose_lhs_hint = false} : vector<1024x512xf32>, vector<512x256xf32>, vector<1024x256xf32> -> vector<1024x256xf32>
    %get3A_8 = arith.constant 0 : index
    %get3A_9 = arith.constant 0 : index
    %get3A_10 = vector.load %arg4[%get3A_8, %get3A_9] : memref<1x256xf32, #tpu.memory_space<vmem>>, vector<1x256xf32>
    %add3A = vector.broadcast %get3A_10 : vector<1x256xf32> to vector<1024x256xf32>
    %add3A_11 = arith.addf %dot_general3A_7, %add3A : vector<1024x256xf32>
    %swap3A = arith.constant 0 : index
    %swap3A_12 = arith.constant 0 : index
    %swap3A_13 = vector.load %arg8[%swap3A, %swap3A_12] : memref<1024x256xf32, #tpu.memory_space<vmem>>, vector<1024x256xf32>
    tpu.vector_store %arg8[%swap3A, %swap3A_12], %add3A_11 {strides = array<i32>} : memref<1024x256xf32, #tpu.memory_space<vmem>>, vector<1024x256xf32>,
    %mul3A = arith.mulf %add3A_11, %add3A_11 : vector<1024x256xf32>
    %reduce_sum3A = arith.constant dense<0.000000e+00> : vector<1024xf32>
    %reduce_sum3A_14 = vector.multi_reduction <add>, %mul3A, %reduce_sum3A [1] : vector<1024x256xf32> to vector<1024xf32>
    %broadcast_in_dim3A = vector.shape_cast %reduce_sum3A_14 : vector<1024xf32> to vector<1024x1xf32>
    %sqrt3A = math.sqrt %broadcast_in_dim3A : vector<1024x1xf32>
    %max3A = arith.constant 9.99999996E-13 : f32
    %max3A_15 = vector.broadcast %max3A : f32 to vector<1024x1xf32>
    %max3A_16 = arith.maximumf %sqrt3A, %max3A_15 : vector<1024x1xf32>
    %div3A = vector.broadcast %max3A_16 : vector<1024x1xf32> to vector<1024x256xf32>
    %div3A_17 = arith.divf %add3A_11, %div3A : vector<1024x256xf32>
    %mul3A_18 = arith.mulf %div3A_17, %div3A_17 : vector<1024x256xf32>
    %reduce_sum3A_19 = arith.constant dense<0.000000e+00> : vector<1024xf32>
    %reduce_sum3A_20 = vector.multi_reduction <add>, %mul3A_18, %reduce_sum3A_19 [1] : vector<1024x256xf32> to vector<1024xf32>
    %broadcast_in_dim3A_21 = vector.shape_cast %reduce_sum3A_20 : vector<1024xf32> to vector<1024x1xf32>
    %get3A_22 = arith.constant 0 : index
    %get3A_23 = arith.constant 0 : index
    %get3A_24 = vector.load %arg11[%get3A_22, %get3A_23] : memref<1024x256xf32, #tpu.memory_space<vmem>>, vector<256x256xf32>
    %dot_general3A_25 = arith.constant dense<0.000000e+00> : vector<1024x256xf32>
    %dot_general3A_26 = tpu.matmul %div3A_17, %get3A_24, %dot_general3A_25 {dimension_numbers = #tpu.dot_dimension_numbers<[1], [1], [0], [0], [0, 0, 1, 0], [], []>, transpose_lhs_hint = false} : vector<1024x256xf32>, vector<256x256xf32>, vector<1024x256xf32> -> vector<1024x256xf32>
    %mul3A_27 = arith.constant 2.000000e+00 : f32
    %mul3A_28 = vector.broadcast %mul3A_27 : f32 to vector<1024x256xf32>
    %mul3A_29 = arith.mulf %mul3A_28, %dot_general3A_26 : vector<1024x256xf32>
    %sub3A = vector.broadcast %broadcast_in_dim3A_21 : vector<1024x1xf32> to vector<1024x256xf32>
    %sub3A_30 = arith.subf %sub3A, %mul3A_29 : vector<1024x256xf32>
    %get3A_31 = arith.constant 0 : index
    %get3A_32 = arith.constant 0 : index
    %get3A_33 = vector.load %arg12[%get3A_31, %get3A_32] : memref<1x1024xf32, #tpu.memory_space<vmem>>, vector<1x256xf32>
    %add3A_34 = vector.broadcast %get3A_33 : vector<1x256xf32> to vector<1024x256xf32>
    %add3A_35 = arith.addf %sub3A_30, %add3A_34 : vector<1024x256xf32>
    %swap3A_36 = arith.constant 0 : index
    %swap3A_37 = arith.constant 0 : index
    %swap3A_38 = vector.load %arg13[%swap3A_36, %swap3A_37] : memref<1024x1024xf32, #tpu.memory_space<vmem>>, vector<1024x256xf32>
    tpu.vector_store %arg13[%swap3A_36, %swap3A_37], %add3A_35 {strides = array<i32>} : memref<1024x1024xf32, #tpu.memory_space<vmem>>, vector<1024x256xf32>,
    %get3A_39 = arith.constant 256 : index
    %get3A_40 = arith.constant 0 : index
    %get3A_41 = vector.load %arg11[%get3A_39, %get3A_40] : memref<1024x256xf32, #tpu.memory_space<vmem>>, vector<256x256xf32>
    %dot_general3A_42 = arith.constant dense<0.000000e+00> : vector<1024x256xf32>
    %dot_general3A_43 = tpu.matmul %div3A_17, %get3A_41, %dot_general3A_42 {dimension_numbers = #tpu.dot_dimension_numbers<[1], [1], [0], [0], [0, 0, 1, 0], [], []>, transpose_lhs_hint = false} : vector<1024x256xf32>, vector<256x256xf32>, vector<1024x256xf32> -> vector<1024x256xf32>
    %mul3A_44 = arith.constant 2.000000e+00 : f32
    %mul3A_45 = vector.broadcast %mul3A_44 : f32 to vector<1024x256xf32>
    %mul3A_46 = arith.mulf %mul3A_45, %dot_general3A_43 : vector<1024x256xf32>
    %sub3A_47 = vector.broadcast %broadcast_in_dim3A_21 : vector<1024x1xf32> to vector<1024x256xf32>
    %sub3A_48 = arith.subf %sub3A_47, %mul3A_46 : vector<1024x256xf32>
    %get3A_49 = arith.constant 0 : index
    %get3A_50 = arith.constant 256 : index
    %get3A_51 = vector.load %arg12[%get3A_49, %get3A_50] : memref<1x1024xf32, #tpu.memory_space<vmem>>, vector<1x256xf32>
    %add3A_52 = vector.broadcast %get3A_51 : vector<1x256xf32> to vector<1024x256xf32>
    %add3A_53 = arith.addf %sub3A_48, %add3A_52 : vector<1024x256xf32>
    %swap3A_54 = arith.constant 0 : index
    %swap3A_55 = arith.constant 256 : index
    %swap3A_56 = vector.load %arg13[%swap3A_54, %swap3A_55] : memref<1024x1024xf32, #tpu.memory_space<vmem>>, vector<1024x256xf32>
    tpu.vector_store %arg13[%swap3A_54, %swap3A_55], %add3A_53 {strides = array<i32>} : memref<1024x1024xf32, #tpu.memory_space<vmem>>, vector<1024x256xf32>,
    %get3A_57 = arith.constant 512 : index
    %get3A_58 = arith.constant 0 : index
    %get3A_59 = vector.load %arg11[%get3A_57, %get3A_58] : memref<1024x256xf32, #tpu.memory_space<vmem>>, vector<256x256xf32>
    %dot_general3A_60 = arith.constant dense<0.000000e+00> : vector<1024x256xf32>
    %dot_general3A_61 = tpu.matmul %div3A_17, %get3A_59, %dot_general3A_60 {dimension_numbers = #tpu.dot_dimension_numbers<[1], [1], [0], [0], [0, 0, 1, 0], [], []>, transpose_lhs_hint = false} : vector<1024x256xf32>, vector<256x256xf32>, vector<1024x256xf32> -> vector<1024x256xf32>
    %mul3A_62 = arith.constant 2.000000e+00 : f32
    %mul3A_63 = vector.broadcast %mul3A_62 : f32 to vector<1024x256xf32>
    %mul3A_64 = arith.mulf %mul3A_63, %dot_general3A_61 : vector<1024x256xf32>
    %sub3A_65 = vector.broadcast %broadcast_in_dim3A_21 : vector<1024x1xf32> to vector<1024x256xf32>
    %sub3A_66 = arith.subf %sub3A_65, %mul3A_64 : vector<1024x256xf32>
    %get3A_67 = arith.constant 0 : index
    %get3A_68 = arith.constant 512 : index
    %get3A_69 = vector.load %arg12[%get3A_67, %get3A_68] : memref<1x1024xf32, #tpu.memory_space<vmem>>, vector<1x256xf32>
    %add3A_70 = vector.broadcast %get3A_69 : vector<1x256xf32> to vector<1024x256xf32>
    %add3A_71 = arith.addf %sub3A_66, %add3A_70 : vector<1024x256xf32>
    %swap3A_72 = arith.constant 0 : index
    %swap3A_73 = arith.constant 512 : index
    %swap3A_74 = vector.load %arg13[%swap3A_72, %swap3A_73] : memref<1024x1024xf32, #tpu.memory_space<vmem>>, vector<1024x256xf32>
    tpu.vector_store %arg13[%swap3A_72, %swap3A_73], %add3A_71 {strides = array<i32>} : memref<1024x1024xf32, #tpu.memory_space<vmem>>, vector<1024x256xf32>,
    %get3A_75 = arith.constant 768 : index
    %get3A_76 = arith.constant 0 : index
    %get3A_77 = vector.load %arg11[%get3A_75, %get3A_76] : memref<1024x256xf32, #tpu.memory_space<vmem>>, vector<256x256xf32>
    %dot_general3A_78 = arith.constant dense<0.000000e+00> : vector<1024x256xf32>
    %dot_general3A_79 = tpu.matmul %div3A_17, %get3A_77, %dot_general3A_78 {dimension_numbers = #tpu.dot_dimension_numbers<[1], [1], [0], [0], [0, 0, 1, 0], [], []>, transpose_lhs_hint = false} : vector<1024x256xf32>, vector<256x256xf32>, vector<1024x256xf32> -> vector<1024x256xf32>
    %mul3A_80 = arith.constant 2.000000e+00 : f32
    %mul3A_81 = vector.broadcast %mul3A_80 : f32 to vector<1024x256xf32>
    %mul3A_82 = arith.mulf %mul3A_81, %dot_general3A_79 : vector<1024x256xf32>
    %sub3A_83 = vector.broadcast %broadcast_in_dim3A_21 : vector<1024x1xf32> to vector<1024x256xf32>
    %sub3A_84 = arith.subf %sub3A_83, %mul3A_82 : vector<1024x256xf32>
    %get3A_85 = arith.constant 0 : index
    %get3A_86 = arith.constant 768 : index
    %get3A_87 = vector.load %arg12[%get3A_85, %get3A_86] : memref<1x1024xf32, #tpu.memory_space<vmem>>, vector<1x256xf32>
    %add3A_88 = vector.broadcast %get3A_87 : vector<1x256xf32> to vector<1024x256xf32>
    %add3A_89 = arith.addf %sub3A_84, %add3A_88 : vector<1024x256xf32>
    %swap3A_90 = arith.constant 0 : index
    %swap3A_91 = arith.constant 768 : index
    %swap3A_92 = vector.load %arg13[%swap3A_90, %swap3A_91] : memref<1024x1024xf32, #tpu.memory_space<vmem>>, vector<1024x256xf32>
    tpu.vector_store %arg13[%swap3A_90, %swap3A_91], %add3A_89 {strides = array<i32>} : memref<1024x1024xf32, #tpu.memory_space<vmem>>, vector<1024x256xf32>,
    %get3A_93 = arith.constant 0 : index
    %get3A_94 = arith.constant 0 : index
    %get3A_95 = vector.load %arg13[%get3A_93, %get3A_94] : memref<1024x1024xf32, #tpu.memory_space<vmem>>, vector<1024x1024xf32>
    %reduce_min3A = arith.constant dense<0x7F800000> : vector<1024xf32>
    %reduce_min3A_96 = vector.multi_reduction <minimumf>, %get3A_95, %reduce_min3A [1] : vector<1024x1024xf32> to vector<1024xf32>
    %broadcast_in_dim3A_97 = vector.shape_cast %reduce_min3A_96 : vector<1024xf32> to vector<1024x1xf32>
    %iota3A = tpu.iota {dimensions = array<i32: 1>} : vector<1024x1024xi32>
    %eq3A_98 = vector.broadcast %broadcast_in_dim3A_97 : vector<1024x1xf32> to vector<1024x1024xf32>
    %eq3A_99 = arith.cmpf oeq, %get3A_95, %eq3A_98 : vector<1024x1024xf32>
    %jit3A = arith.constant 1024 : i32
    %broadcast_in_dim3A_100 = vector.broadcast %jit3A : i32 to vector<1024x1024xi32>
    %select_n3A = arith.select %eq3A_99, %iota3A, %broadcast_in_dim3A_100 : vector<1024x1024xi1>, vector<1024x1024xi32>
    %reduce_min3A_101 = arith.constant dense<2147483647> : vector<1024xi32>
    %reduce_min3A_102 = vector.multi_reduction <minsi>, %select_n3A, %reduce_min3A_101 [1] : vector<1024x1024xi32> to vector<1024xi32>
    %broadcast_in_dim3A_103 = vector.shape_cast %reduce_min3A_102 : vector<1024xi32> to vector<1024x1xi32>
    %swap3A_104 = arith.constant 0 : index
    %swap3A_105 = arith.constant 0 : index
    %swap3A_106 = vector.load %arg9[%swap3A_104, %swap3A_105] : memref<1024x1xi32, #tpu.memory_space<vmem>>, vector<1024x1xi32>
    tpu.vector_store %arg9[%swap3A_104, %swap3A_105], %broadcast_in_dim3A_103 {strides = array<i32>} : memref<1024x1xi32, #tpu.memory_space<vmem>>, vector<1024x1xi32>,
    return
  }
  func.func @transform_0(%arg0: i32) -> (i32, i32) {
    %c0_i32 = arith.constant 0 : i32
    %c0_i32_0 = arith.constant 0 : i32
    return %arg0, %c0_i32 : i32, i32
  }
  func.func @transform_1(%arg0: i32) -> (i32, i32) {
    %c0_i32 = arith.constant 0 : i32
    %c0_i32_0 = arith.constant 0 : i32
    %c0_i32_1 = arith.constant 0 : i32
    return %c0_i32, %c0_i32_0 : i32, i32
  }
  func.func @transform_2(%arg0: i32) -> (i32, i32) {
    %c0_i32 = arith.constant 0 : i32
    %c0_i32_0 = arith.constant 0 : i32
    %c0_i32_1 = arith.constant 0 : i32
    return %c0_i32, %c0_i32_0 : i32, i32
  }
  func.func @transform_3(%arg0: i32) -> (i32, i32) {
    %c0_i32 = arith.constant 0 : i32
    %c0_i32_0 = arith.constant 0 : i32
    %c0_i32_1 = arith.constant 0 : i32
    return %c0_i32, %c0_i32_0 : i32, i32
  }
  func.func @transform_4(%arg0: i32) -> (i32, i32) {
    %c0_i32 = arith.constant 0 : i32
    %c0_i32_0 = arith.constant 0 : i32
    %c0_i32_1 = arith.constant 0 : i32
    return %c0_i32, %c0_i32_0 : i32, i32
  }
  func.func @transform_5(%arg0: i32) -> (i32, i32) {
    %c0_i32 = arith.constant 0 : i32
    %c0_i32_0 = arith.constant 0 : i32
    %c0_i32_1 = arith.constant 0 : i32
    return %c0_i32, %c0_i32_0 : i32, i32
  }
  func.func @transform_6(%arg0: i32) -> (i32, i32) {
    %c0_i32 = arith.constant 0 : i32
    %c0_i32_0 = arith.constant 0 : i32
    %c0_i32_1 = arith.constant 0 : i32
    return %c0_i32, %c0_i32_0 : i32, i32
  }
  func.func @transform_7(%arg0: i32) -> (i32, i32) {
    %c0_i32 = arith.constant 0 : i32
    %c0_i32_0 = arith.constant 0 : i32
    return %arg0, %c0_i32 : i32, i32
  }
  func.func @transform_8(%arg0: i32) -> (i32, i32) {
    %c0_i32 = arith.constant 0 : i32
    %c0_i32_0 = arith.constant 0 : i32
    return %arg0, %c0_i32 : i32, i32
  }
}

</mosaic_0001>

<sc_bundles>
// kernel: kernel.5.cloned.1.call-start
scs
__scs_entry_jumppad:
0x0: {  	(pc) =	sbr.rel $0x88, $3  }
0x1: {  	(tag) =	ssettag $0x0;
	lr =	simm.s32 $0x1  }
0x2: {  	[smem:$0x3F97] =	sst lr;
	_ =	strace $0xD0000000  }
0x3: {  	_ = 	snop  }
0x4: {  	_ = 	snop  }
0x5: {  	_ = 	snop  }
0x6: {  	_ = 	snop  }
0x7: {  	_ = 	snop  }
__scs_overlays_trampoline_lowered:
0x8: {  	[smem:$0x3FA6] =	sst s0  }
0x9: {  	[smem:$0x3FA7] =	sst s1  }
0xa: {  	[smem:$0x3FA8] =	sst s2  }
0xb: {  	[smem:$0x3FA9] =	sst s3  }
0xc: {  	[smem:$0x3FAA] =	sst s4  }
0xd: {  	[smem:$0x3FAB] =	sst s5  }
0xe: {  	[smem:$0x3FAC] =	sst s6  }
0xf: {  	[smem:$0x3FAD] =	sst s7  }
0x10: {  	[smem:$0x3FAE] =	sst s8  }
0x11: {  	[smem:$0x3FAF] =	sst s9;
	s0 =	simm.s32 @!p0 $0x0  }
0x12: {  	s1 =	sld [smem:$0x3F95];
	s0 =	simm.s32 @p0 $0x1  }
0x13: {  	[smem:$0x3FB0] =	sst s0;
	s0 =	simm.s32 @!p1 $0x0  }
0x14: {  	s2 =	sld [smem:$0x3F94];
	s0 =	simm.s32 @p1 $0x1  }
0x15: {  	[smem:$0x3FB1] =	sst s0;
	s0 =	simm.s32 @!p2 $0x0  }
0x16: {  	s3 =	sld [smem:$0x3FDB];
	s0 =	simm.s32 @p2 $0x1  }
0x17: {  	s4 =	simm.s32 $0x1BF5;
	[smem:$0x3FB3] =	sst s0  }
0x18: {  	s0 =	sld [smem:$0x3F96];
	_ =	swait.ge [sflag:s4], $0x0  }
0x19: {  	s7 =	sld [smem:$0x3F97]  }
0x1a: {  	s8 =	sadd.s32 $0xFFFFE003, lr  }
0x1b: {  	s9 =	sadd.s32 $0xFFFFFEF7, lr;
	s5 =	simm.s32 $0xFFFFFFFF;
	p2 =	slt.u32 s8, $0xFFFFF086  }
0x1c: {  	p1 =	slt.u32 s9, $0xF7A;
	s5 =	simm.s32 @!p2 $0x0  }
0x1d: {  	s5 =	simm.s32 @p1 $0x1;
	p0 =	seq.s32 s7, s2  }
0x1e: {  	s7 =	smul.u32 @!p0 $0xF7A, s2;
	p2 =	seq.s32 @!p0 s5, $0x0  }
0x1f: {  	s9 =	smul.u32 $0xF7A, s1;
	s8 =	simm.s32 @!p0 $0x1BF5;
	p2 =	por !p2, p0  }
0x20: {  	[sflag:s8] =	ssyncset.s32 @!p0 $0xFFFFF086;
	s6 =	sadd.s32 @!p0 s3, s7;
	s7 =	simm.s32 @!p0 $0x108  }
0x21: {  	s3 =	sadd.s32 s3, s9;
	s6 =	sadd.s32 @!p0 $0x88, s6;
	s7 =	simm.s32 @p2 $0x1082  }
0x22: {  	[simem:s7], [sflag:s8] =	dma.local @!p0 [hbm:s6], $0xF7A  }
0x23: {  	s9 =	sor.u32 $0xD0000000, s2;
	s6 =	simm.s32 $0x108;
	_ =	swait.ge @!p0 [sflag:s8], $0x0  }
0x24: {  	s3 =	sadd.s32 $0x88, s3;
	s6 =	simm.s32 @!p1 $0x1082;
	[sflag:s4] =	ssyncset.s32 $0xFFFFF086  }
0x25: {  	[simem:s6], [sflag:s4] =	dma.local [hbm:s3], $0xF7A  }
0x26: {  	[smem:$0x3F97] =	sst s1;
	(tag) =	ssettag s2;
	_ =	strace s9  }
0x27: {  	s1 =	sld [smem:$0x3FA7]  }
0x28: {  	s2 =	sld [smem:$0x3FA8]  }
0x29: {  	s4 =	sld [smem:$0x3FAA]  }
0x2a: {  	p0 =	seq.s32 s5, $0x0;
	s5 =	sld [smem:$0x3FAB]  }
0x2b: {  	s6 =	sld [smem:$0x3FAC]  }
0x2c: {  	s7 =	sld [smem:$0x3FAD]  }
0x2d: {  	s3 =	simm.s32 $0x108;
	s8 =	sld [smem:$0x3FAE]  }
0x2e: {  	s3 =	simm.s32 @!p0 $0x1082;
	s9 =	sld [smem:$0x3FAF]  }
0x2f: {  	lr =	sadd.s32 s0, s3;
	s0 =	sld [smem:$0x3FA6]  }
0x30: {  	s3 =	sld [smem:$0x3FA9]  }
0x31: {  	[smem:$0x3FB2] =	sst s10  }
0x32: {  	s10 =	sld [smem:$0x3FB0];
	_ =	sdelay $0x3  }
0x33: {  	p0 =	seq.s32 s10, $0x1;
	s10 =	sld [smem:$0x3FB2];
	_ =	sdelay $0x3  }
0x34: {  	[smem:$0x3FB2] =	sst s10  }
0x35: {  	s10 =	sld [smem:$0x3FB1];
	_ =	sdelay $0x3  }
0x36: {  	p1 =	seq.s32 s10, $0x1;
	s10 =	sld [smem:$0x3FB2];
	_ =	sdelay $0x3  }
0x37: {  	[smem:$0x3FB2] =	sst s10  }
0x38: {  	s10 =	sld [smem:$0x3FB3]  }
0x39: {  	_ = 	snop;
	(pc) =	sbr.ind lr, $3  }
0x3a: {  	_ = 	snop  }
0x3b: {  	_ = 	snop  }
0x3c: {  	p2 =	seq.s32 s10, $0x1;
	s10 =	sld [smem:$0x3FB2]  }
0x3d: {  	_ =	shalt  }
0x3e: {  	_ =	shalt  }
0x3f: {  	_ =	shalt  }
0x40: {  	_ =	shalt  }
0x41: {  	_ =	shalt  }
0x42: {  	_ =	shalt  }
0x43: {  	_ =	shalt  }
0x44: {  	_ =	shalt  }
0x45: {  	_ =	shalt  }
0x46: {  	_ =	shalt  }
0x47: {  	_ =	shalt  }
0x48: {  	_ =	shalt  }
0x49: {  	_ =	shalt  }
0x4a: {  	_ =	shalt  }
0x4b: {  	_ =	shalt  }
0x4c: {  	_ =	shalt  }
0x4d: {  	_ =	shalt  }
0x4e: {  	_ =	shalt  }
0x4f: {  	_ =	shalt  }
0x50: {  	_ =	shalt  }
0x51: {  	_ =	shalt  }
0x52: {  	_ =	shalt  }
0x53: {  	_ =	shalt  }
0x54: {  	_ =	shalt  }
0x55: {  	_ =	shalt  }
0x56: {  	_ =	shalt  }
0x57: {  	_ =	shalt  }
0x58: {  	_ =	shalt  }
0x59: {  	_ =	shalt  }
0x5a: {  	_ =	shalt  }
0x5b: {  	_ =	shalt  }
0x5c: {  	_ =	shalt  }
0x5d: {  	_ =	shalt  }
0x5e: {  	_ =	shalt  }
0x5f: {  	_ =	shalt  }
0x60: {  	_ =	shalt  }
0x61: {  	_ =	shalt  }
0x62: {  	_ =	shalt  }
0x63: {  	_ =	shalt  }
0x64: {  	_ =	shalt  }
0x65: {  	_ =	shalt  }
0x66: {  	_ =	shalt  }
0x67: {  	_ =	shalt  }
0x68: {  	_ =	shalt  }
0x69: {  	_ =	shalt  }
0x6a: {  	_ =	shalt  }
0x6b: {  	_ =	shalt  }
0x6c: {  	_ =	shalt  }
0x6d: {  	_ =	shalt  }
0x6e: {  	_ =	shalt  }
0x6f: {  	_ =	shalt  }
0x70: {  	_ =	shalt  }
0x71: {  	_ =	shalt  }
0x72: {  	_ =	shalt  }
0x73: {  	_ =	shalt  }
0x74: {  	_ =	shalt  }
0x75: {  	_ =	shalt  }
0x76: {  	_ =	shalt  }
0x77: {  	_ =	shalt  }
0x78: {  	_ =	shalt  }
0x79: {  	_ =	shalt  }
0x7a: {  	_ =	shalt  }
0x7b: {  	_ =	shalt  }
0x7c: {  	_ =	shalt  }
0x7d: {  	_ =	shalt  }
0x7e: {  	_ =	shalt  }
0x7f: {  	_ =	shalt  }
0x80: {  	_ =	shalt  }
0x81: {  	_ =	shalt  }
0x82: {  	_ =	shalt  }
0x83: {  	_ =	shalt  }
0x84: {  	_ =	shalt  }
0x85: {  	_ =	shalt  }
0x86: {  	_ =	shalt  }
0x87: {  	_ =	shalt  }
.Lfunc_end0:
.L_simem_size_0:
called_computation_lowered:
.L_overlay_start_0:
0x88: {  	s2 =	sld [smem:$0x3FD9]  }
0x89: {  	s3 =	sld [smem:$0x3FFE];
	_ =	sdelay $0x1  }
0x8a: {  	s1 =	srdreg.scid  }
0x8b: {  	s0 =	sand.u32 $0x1, s1  }
0x8c: {  	s14 =	sshll.u32 s0, $0xA;
	s2 =	sadd.s32 s3, s2  }
0x8d: {  	s2 =	sadd.s32 s2, s14  }
0x8e: {  	[smem:$0x3FBE] =	sst s2  }
0x8f: {  	_ = 	snop  }
0x90: {  	s2 =	sld [smem:$0x3FD0];
	_ =	sdelay $0x2  }
0x91: {  	s4 =	simm.s32 $0xA;
	s5 =	simm.s32 $0x10;
	s15 =	sld [smem:$0x3FC2]  }
0x92: {  	[smem:s5], [sflag:s4] =	dma.local [hbm:s2], $0x1  }
0x93: {  	_ =	swait.eq [sflag:s4], $0x1  }
0x94: {  	[sflag:s4] =	ssyncset.done $0x0  }
0x95: {  	[sflag:s4] =	ssyncadd.s32 $0xFFFFFFFF  }
0x96: {  	s16 =	sld [smem:$0x10];
	(tm) =	ssettm $0x1  }
0x97: {  	s17 =	sld [smem:$0x3FFB];
	_ =	sdelay $0x3  }
0x98: {  	_ =	strace s17  }
0x99: {  	s4 =	sld [smem:$0x3FFC];
	_ =	sdelay $0x3  }
0x9a: {  	_ =	strace s4  }
0x9b: {  	s4 =	sld [smem:$0x3FFD];
	_ =	sdelay $0x3  }
0x9c: {  	_ =	strace s4  }
0x9d: {  	_ =	strace $0x8FFFFFFF  }
0x9e: {  	s18 =	sld [smem:$0x3FDB];
	_ =	sdelay $0x1  }
0x9f: {  	s19 =	simm.s32 $_scs_section_size  }
0xa0: {  	s6 =	simm.s32 $_size__tile_overlayer_lowered;
	s7 =	simm.s32 $_tile_overlayer_lowered  }
0xa1: {  	s22 =	simm.s32 $0x1BFF;
	s21 =	sshll.u32 s7, $0x1;
	s4 =	sadd.s32 s19, s18  }
0xa2: {  	s8 =	simm.s32 $0x0;
	s20 =	sshll.u32 s6, $0x1;
	s6 =	sadd.s32 s21, s4  }
0xa3: {  	[timem:s8], [sflag:s22] =	dma.local [hbm:s6], s20  }
0xa4: {  	_ =	swait.ge [sflag:s22], s20  }
0xa5: {  	s5 =	ssub.s32 $0x0, s20;
	[sflag:s22] =	ssyncset.done $0x0  }
0xa6: {  	[sflag:s22] =	ssyncadd.s32 s5;
	_ =	sdelay $0x1  }
0xa7: {  	s23 =	simm.s32 $0x1B8B  }
0xa8: {  	_ =	swait.ge [sflag:s23], $0x1  }
0xa9: {  	[sflag:s23] =	ssyncset.done $0x0  }
0xaa: {  	s25 =	simm.s32 $0x1B8E;
	s24 =	sld [smem:$0x3FFE];
	[sflag:s23] =	ssyncadd.s32 $0xFFFFFFFF  }
0xab: {  	s26 =	simm.s32 $execute0_lowered;
	[smem:$0x3FD2] =	sst s25  }
0xac: {  	s6 =	sshll.u32 s26, $0x1;
	_ =	strace $0x80000046;
	[dreg:$0x1] =	wrdreg $0xFFFFFFFF  }
0xad: {  	s28 =	simm.s32 $_size_execute0_lowered;
	s4 =	sadd.s32 s4, s6;
	[dreg:$0x0] =	wrdreg $0x0  }
0xae: {  	s6 =	sshll.u32 s28, $0x1;
	[dreg:$0x2] =	wrdreg s4  }
0xaf: {  	[dreg:$0x3] =	wrdreg s6  }
0xb0: {  	[dreg:$0x4] =	wrdreg $0xC0  }
0xb1: {  	_ =	task [dreg:s8], $0x5FFFF  }
0xb2: {  	[dreg:$0x1] =	wrdreg $0xFFFFFFFF  }
0xb3: {  	[dreg:$0x0] =	wrdreg $0x60  }
0xb4: {  	[dreg:$0x2] =	wrdreg s15  }
0xb5: {  	[dreg:$0x3] =	wrdreg s16  }
0xb6: {  	[dreg:$0x4] =	wrdreg s24  }
0xb7: {  	[dreg:$0x5] =	wrdreg $0x9  }
0xb8: {  	_ =	task.clear_ibuf [dreg:s8], $0x6FFFF;
	_ =	strace $0x90000046  }
0xb9: {  	s29 =	simm.s32 $0x9;
	_ =	strace $0x80000048  }
0xba: {  	_ =	swait.ge [sflag:s29], $0x1  }
0xbb: {  	[sflag:s29] =	ssyncadd.s32 $0xFFFFFFFF  }
0xbc: {  	_ =	strace $0x90000048  }
0xbd: {  	_ =	sfence  }
0xbe: {  	s30 =	sld [smem:$0x0];
	_ =	sdelay $0x2  }
0xbf: {  	s31 =	sshll.u32 s1, $0xD;
	s1 =	sshrl.u32 s1, $0x2  }
0xc0: {  	s3 =	sand.u32 $0x4000, s31;
	s1 =	sadd.s32 s1, s30  }
0xc1: {  	s0 =	sor.u32 s3, s0;
	s1 =	sshll.u32 s1, $0x11  }
0xc2: {  	s0 =	sor.u32 s1, s0  }
0xc3: {  	s0 =	sadd.s32 $0x8F2B, s0  }
0xc4: {  	[sflag:s0] =	ssyncadd.remote.s32 $0x1  }
0xc5: {  	_ =	sfence.sel $0xFFFF  }
0xc6: {  	[dreg:$0x0] =	wrdreg $0xFFFFFFFF;
	(pc) =	sbr.abs _section_cstart, $3  }
0xc7: {  	[dreg:$0x1] =	wrdreg $0xFFFFFFFF  }
0xc8: {  	_ =	task.clear_ibuf [dreg:s8], $0x2FFFF;
	_ =	strace $0x9FFFFFFF  }
0xc9: {  	(tm) =	ssettm $0x7FFFFFFF  }
tec
execute0_lowered:
.L_overlay_start_1:
0x0: {  	(tag) =	ssettag $0x1  }
0x1: {  	s0 =	srdreg.scid  }
0x2: {  	s1 =	rddreg [dreg:$0x0];
	s3 =	stileid.u32;
	s0 =	sand.u32 $0x1, s0  }
0x3: {  	s2 =	rddreg [dreg:$0x1];
	s5 =	sshll.u32 s3, $0xB;
	s6 =	sshll.u32 s0, $0xA  }
0x4: {  	s4 =	rddreg [dreg:$0x2];
	s11 =	simm.s32 $0x1;
	s5 =	sor.u32 s6, s5  }
0x5: {  	s3 =	simm.s32 $0x0;
	s6 =	sshll.u32 s5, $0x5;
	s5 =	sshrl.u32 s5, $0x3  }
0x6: {  	[smem:$0x7FF] =	sst s3;
	s4 =	sadd.s32 s6, s4;
	s2 =	sadd.s32 s2, s5  }
0x7: {  	_ =	strace $0x80000047;
	[dreg:$0x4] =	wrdreg s2;
	s22 =	sadd.s32 $0x1400, s4  }
0x8: {  	s12 =	simm.s32 $0x3;
	s23 =	sadd.s32 $0x2400, s4;
	[dreg:$0x5] =	wrdreg s22  }
0x9: {  	s13 =	simm.s32 $0x2;
	s24 =	sadd.s32 $0x3400, s4;
	[dreg:$0x6] =	wrdreg s23  }
0xa: {  	s14 =	simm.s32 $0x4;
	s25 =	sadd.s32 $0x4400, s4;
	[dreg:$0x7] =	wrdreg s24  }
0xb: {  	s0 =	ssub.s32 $0x2, s0;
	s26 =	sadd.s32 $0x5400, s4;
	[dreg:$0x8] =	wrdreg s25  }
0xc: {  	s29 =	sshrl.u32 s0, $0x1;
	s28 =	sadd.s32 $0x6400, s4;
	[dreg:$0x9] =	wrdreg s26  }
0xd: {  	v2 =	vlaneseq.u32;
	s0 =	ssub.s32 s0, s29;
	s30 =	sadd.s32 $0x7400, s4;
	[dreg:$0xa] =	wrdreg s28  }
0xe: {  	vm0 =	vmmov $0xffff;
	v1 =	vshrl.u32 v2, $0x3;
	s31 =	sadd.s32 $0x8400, s4;
	s4 =	smax.u32 s0, $0x1;
	[dreg:$0xb] =	wrdreg s30  }
0xf: {  	v0 =	vand.u32 $0x7, v2;
	v2 =	vor.u32 $0x8, v2;
	v1 =	vmul.u32 $0x8, v1;
	[dreg:$0xc] =	wrdreg s31;
	s26 =	simm.s32 $0x400;
	s22 =	simm.s32 $0x8400  }
.LBB2_1:
0x10: {  	s15 =	rddreg [dreg:$0x4];
	s25 =	simm.s32 $0x5  }
0x11: {  	[tilespmem:s3], [sflag:$0x5] =	stream.linear.gather [hbm4b:s15+s3], $0x400, $0x38;
	[tilespmem:$0x10400] =	vst v63  }
0x12: {  	_ =	swait.ge [sflag:s25], $0x400  }
0x13: {  	[sflag:s25] =	ssyncset.done $0x0  }
0x14: {  	[sflag:s25] =	ssyncadd.s32 $0xFFFFFC00  }
0x15: {  	v3 =	vld [tilespmem:$0x0];
	_ =	sdelay $0x4  }
0x16: {  	v4 =	vshll.u32 v3, $0x1  }
0x17: {  	v3 =	vand.u32 $0x7, v3;
	v4 =	vand.u32 $0xFFFFFFF0, v4  }
0x18: {  	v3 =	vor.u32 v3, v4  }
0x19: {  	v4 =	vperm.xlane v3, v0;
	_ =	sdelay $0x1  }
0x1a: {  	v3 =	vperm.xlane v3, v2;
	v4 =	vadd.s32 v1, v4;
	_ =	sdelay $0x1  }
0x1b: {  	v3 =	vadd.s32 v1, v3;
	_ =	sdelay $0x2  }
0x1c: {  	[tilespmem:s26], [sflag:$0x1] =	stream.indirect_vreg.gather [hbm4b:s1+s3], $0x80, v4, vm0, $0xb8;
	[tilespmem:$0x10400] =	vst v63  }
0x1d: {  	s0 =	simm.s32 $0xC00  }
0x1e: {  	[tilespmem:s0], [sflag:$0x1] =	stream.indirect_vreg.gather [hbm4b:s1+s3], $0x80, v3, vm0, $0xb8;
	[tilespmem:$0x10400] =	vst v63  }
0x1f: {  	v3 =	vld [tilespmem:$0x10];
	_ =	sdelay $0x4  }
0x20: {  	v57 =	vshll.u32 v3, $0x1  }
0x21: {  	v3 =	vand.u32 $0x7, v3;
	v4 =	vand.u32 $0xFFFFFFF0, v57  }
0x22: {  	v3 =	vor.u32 v3, v4  }
0x23: {  	v4 =	vperm.xlane v3, v0;
	_ =	sdelay $0x1  }
0x24: {  	v3 =	vperm.xlane v3, v2;
	v4 =	vadd.s32 v1, v4;
	_ =	sdelay $0x1  }
0x25: {  	v3 =	vadd.s32 v1, v3;
	_ =	sdelay $0x1  }
0x26: {  	s28 =	simm.s32 $0x1400  }
0x27: {  	[tilespmem:s28], [sflag:$0x1] =	stream.indirect_vreg.gather [hbm4b:s1+s3], $0x80, v4, vm0, $0xb8;
	[tilespmem:$0x10400] =	vst v63  }
0x28: {  	s29 =	simm.s32 $0x1C00  }
0x29: {  	[tilespmem:s29], [sflag:$0x1] =	stream.indirect_vreg.gather [hbm4b:s1+s3], $0x80, v3, vm0, $0xb8;
	[tilespmem:$0x10400] =	vst v63  }
0x2a: {  	v3 =	vld [tilespmem:$0x20];
	_ =	sdelay $0x4  }
0x2b: {  	v58 =	vshll.u32 v3, $0x1  }
0x2c: {  	v3 =	vand.u32 $0x7, v3;
	v4 =	vand.u32 $0xFFFFFFF0, v58  }
0x2d: {  	v3 =	vor.u32 v3, v4  }
0x2e: {  	v4 =	vperm.xlane v3, v0;
	_ =	sdelay $0x1  }
0x2f: {  	v3 =	vperm.xlane v3, v2;
	v4 =	vadd.s32 v1, v4;
	_ =	sdelay $0x1  }
0x30: {  	v3 =	vadd.s32 v1, v3;
	_ =	sdelay $0x1  }
0x31: {  	s30 =	simm.s32 $0x2400  }
0x32: {  	[tilespmem:s30], [sflag:$0x1] =	stream.indirect_vreg.gather [hbm4b:s1+s3], $0x80, v4, vm0, $0xb8;
	[tilespmem:$0x10400] =	vst v63  }
0x33: {  	s31 =	simm.s32 $0x2C00  }
0x34: {  	[tilespmem:s31], [sflag:$0x1] =	stream.indirect_vreg.gather [hbm4b:s1+s3], $0x80, v3, vm0, $0xb8;
	[tilespmem:$0x10400] =	vst v63  }
0x35: {  	v3 =	vld [tilespmem:$0x30];
	_ =	sdelay $0x4  }
0x36: {  	v59 =	vshll.u32 v3, $0x1  }
0x37: {  	v3 =	vand.u32 $0x7, v3;
	v4 =	vand.u32 $0xFFFFFFF0, v59  }
0x38: {  	v3 =	vor.u32 v3, v4  }
0x39: {  	v4 =	vperm.xlane v3, v0;
	_ =	sdelay $0x1  }
0x3a: {  	v3 =	vperm.xlane v3, v2;
	v4 =	vadd.s32 v1, v4;
	_ =	sdelay $0x1  }
0x3b: {  	v3 =	vadd.s32 v1, v3;
	_ =	sdelay $0x1  }
0x3c: {  	s2 =	simm.s32 $0x3400  }
0x3d: {  	[tilespmem:s2], [sflag:$0x1] =	stream.indirect_vreg.gather [hbm4b:s1+s3], $0x80, v4, vm0, $0xb8;
	[tilespmem:$0x10400] =	vst v63  }
0x3e: {  	s9 =	simm.s32 $0x3C00  }
0x3f: {  	[tilespmem:s9], [sflag:$0x1] =	stream.indirect_vreg.gather [hbm4b:s1+s3], $0x80, v3, vm0, $0xb8;
	[tilespmem:$0x10400] =	vst v63  }
0x40: {  	v3 =	vld [tilespmem:$0x40];
	_ =	sdelay $0x4  }
0x41: {  	v60 =	vshll.u32 v3, $0x1  }
0x42: {  	v3 =	vand.u32 $0x7, v3;
	v4 =	vand.u32 $0xFFFFFFF0, v60  }
0x43: {  	v3 =	vor.u32 v3, v4  }
0x44: {  	v4 =	vperm.xlane v3, v0;
	_ =	sdelay $0x1  }
0x45: {  	v3 =	vperm.xlane v3, v2;
	v4 =	vadd.s32 v1, v4;
	_ =	sdelay $0x1  }
0x46: {  	v3 =	vadd.s32 v1, v3;
	_ =	sdelay $0x1  }
0x47: {  	s10 =	simm.s32 $0x4400  }
0x48: {  	[tilespmem:s10], [sflag:$0x1] =	stream.indirect_vreg.gather [hbm4b:s1+s3], $0x80, v4, vm0, $0xb8;
	[tilespmem:$0x10400] =	vst v63  }
0x49: {  	s15 =	simm.s32 $0x4C00  }
0x4a: {  	[tilespmem:s15], [sflag:$0x1] =	stream.indirect_vreg.gather [hbm4b:s1+s3], $0x80, v3, vm0, $0xb8;
	[tilespmem:$0x10400] =	vst v63  }
0x4b: {  	v3 =	vld [tilespmem:$0x50];
	_ =	sdelay $0x4  }
0x4c: {  	v61 =	vshll.u32 v3, $0x1  }
0x4d: {  	v3 =	vand.u32 $0x7, v3;
	v4 =	vand.u32 $0xFFFFFFF0, v61  }
0x4e: {  	v3 =	vor.u32 v3, v4  }
0x4f: {  	v4 =	vperm.xlane v3, v0;
	_ =	sdelay $0x1  }
0x50: {  	v3 =	vperm.xlane v3, v2;
	v4 =	vadd.s32 v1, v4;
	_ =	sdelay $0x1  }
0x51: {  	v3 =	vadd.s32 v1, v3;
	_ =	sdelay $0x1  }
0x52: {  	s16 =	simm.s32 $0x5400  }
0x53: {  	[tilespmem:s16], [sflag:$0x1] =	stream.indirect_vreg.gather [hbm4b:s1+s3], $0x80, v4, vm0, $0xb8;
	[tilespmem:$0x10400] =	vst v63  }
0x54: {  	s17 =	simm.s32 $0x5C00  }
0x55: {  	[tilespmem:s17], [sflag:$0x1] =	stream.indirect_vreg.gather [hbm4b:s1+s3], $0x80, v3, vm0, $0xb8;
	[tilespmem:$0x10400] =	vst v63  }
0x56: {  	v3 =	vld [tilespmem:$0x60];
	_ =	sdelay $0x4  }
0x57: {  	v62 =	vshll.u32 v3, $0x1  }
0x58: {  	v3 =	vand.u32 $0x7, v3;
	v4 =	vand.u32 $0xFFFFFFF0, v62  }
0x59: {  	v3 =	vor.u32 v3, v4  }
0x5a: {  	v4 =	vperm.xlane v3, v0;
	_ =	sdelay $0x1  }
0x5b: {  	v3 =	vperm.xlane v3, v2;
	v4 =	vadd.s32 v1, v4;
	_ =	sdelay $0x1  }
0x5c: {  	v3 =	vadd.s32 v1, v3;
	_ =	sdelay $0x1  }
0x5d: {  	s18 =	simm.s32 $0x6400  }
0x5e: {  	[tilespmem:s18], [sflag:$0x1] =	stream.indirect_vreg.gather [hbm4b:s1+s3], $0x80, v4, vm0, $0xb8;
	[tilespmem:$0x10400] =	vst v63  }
0x5f: {  	s19 =	simm.s32 $0x6C00  }
0x60: {  	[tilespmem:s19], [sflag:$0x1] =	stream.indirect_vreg.gather [hbm4b:s1+s3], $0x80, v3, vm0, $0xb8;
	[tilespmem:$0x10400] =	vst v63  }
0x61: {  	v3 =	vld [tilespmem:$0x70];
	_ =	sdelay $0x4  }
0x62: {  	v63 =	vshll.u32 v3, $0x1  }
0x63: {  	v3 =	vand.u32 $0x7, v3;
	v4 =	vand.u32 $0xFFFFFFF0, v63  }
0x64: {  	v3 =	vor.u32 v3, v4  }
0x65: {  	v4 =	vperm.xlane v3, v0;
	_ =	sdelay $0x1  }
0x66: {  	v3 =	vperm.xlane v3, v2;
	v4 =	vadd.s32 v1, v4;
	_ =	sdelay $0x1  }
0x67: {  	v3 =	vadd.s32 v1, v3;
	_ =	sdelay $0x1  }
0x68: {  	s20 =	simm.s32 $0x7400  }
0x69: {  	[tilespmem:s20], [sflag:$0x1] =	stream.indirect_vreg.gather [hbm4b:s1+s3], $0x80, v4, vm0, $0xb8;
	[tilespmem:$0x10400] =	vst v63  }
0x6a: {  	s21 =	simm.s32 $0x7C00  }
0x6b: {  	[tilespmem:s21], [sflag:$0x1] =	stream.indirect_vreg.gather [hbm4b:s1+s3], $0x80, v3, vm0, $0xb8;
	[tilespmem:$0x10400] =	vst v63  }
0x6c: {  	v3 =	vld [tilespmem:$0x80];
	_ =	sdelay $0x4  }
0x6d: {  	v8 =	vshll.u32 v3, $0x1  }
0x6e: {  	v3 =	vand.u32 $0x7, v3;
	v4 =	vand.u32 $0xFFFFFFF0, v8  }
0x6f: {  	v3 =	vor.u32 v3, v4  }
0x70: {  	v4 =	vperm.xlane v3, v0;
	_ =	sdelay $0x1  }
0x71: {  	v3 =	vperm.xlane v3, v2;
	v4 =	vadd.s32 v1, v4;
	_ =	sdelay $0x1  }
0x72: {  	v3 =	vadd.s32 v1, v3;
	_ =	sdelay $0x2  }
0x73: {  	[tilespmem:s22], [sflag:$0x2] =	stream.indirect_vreg.gather [hbm4b:s1+s3], $0x80, v4, vm0, $0xb8;
	[tilespmem:$0x10400] =	vst v63  }
0x74: {  	s23 =	simm.s32 $0x8C00  }
0x75: {  	[tilespmem:s23], [sflag:$0x2] =	stream.indirect_vreg.gather [hbm4b:s1+s3], $0x80, v3, vm0, $0xb8;
	[tilespmem:$0x10400] =	vst v63  }
0x76: {  	v3 =	vld [tilespmem:$0x90];
	_ =	sdelay $0x4  }
0x77: {  	v9 =	vshll.u32 v3, $0x1  }
0x78: {  	v3 =	vand.u32 $0x7, v3;
	v4 =	vand.u32 $0xFFFFFFF0, v9  }
0x79: {  	v3 =	vor.u32 v3, v4  }
0x7a: {  	v4 =	vperm.xlane v3, v0;
	_ =	sdelay $0x1  }
0x7b: {  	v3 =	vperm.xlane v3, v2;
	v4 =	vadd.s32 v1, v4;
	_ =	sdelay $0x1  }
0x7c: {  	v3 =	vadd.s32 v1, v3;
	_ =	sdelay $0x1  }
0x7d: {  	s24 =	simm.s32 $0x9400  }
0x7e: {  	[tilespmem:s24], [sflag:$0x2] =	stream.indirect_vreg.gather [hbm4b:s1+s3], $0x80, v4, vm0, $0xb8;
	[tilespmem:$0x10400] =	vst v63  }
0x7f: {  	s25 =	simm.s32 $0x9C00  }
0x80: {  	[tilespmem:s25], [sflag:$0x2] =	stream.indirect_vreg.gather [hbm4b:s1+s3], $0x80, v3, vm0, $0xb8;
	[tilespmem:$0x10400] =	vst v63  }
0x81: {  	v3 =	vld [tilespmem:$0xA0];
	_ =	sdelay $0x4  }
0x82: {  	v10 =	vshll.u32 v3, $0x1  }
0x83: {  	v3 =	vand.u32 $0x7, v3;
	v4 =	vand.u32 $0xFFFFFFF0, v10  }
0x84: {  	v3 =	vor.u32 v3, v4  }
0x85: {  	v4 =	vperm.xlane v3, v0;
	_ =	sdelay $0x1  }
0x86: {  	v3 =	vperm.xlane v3, v2;
	v4 =	vadd.s32 v1, v4;
	_ =	sdelay $0x1  }
0x87: {  	v3 =	vadd.s32 v1, v3;
	_ =	sdelay $0x1  }
0x88: {  	s28 =	simm.s32 $0xA400  }
0x89: {  	[tilespmem:s28], [sflag:$0x2] =	stream.indirect_vreg.gather [hbm4b:s1+s3], $0x80, v4, vm0, $0xb8;
	[tilespmem:$0x10400] =	vst v63  }
0x8a: {  	s29 =	simm.s32 $0xAC00  }
0x8b: {  	[tilespmem:s29], [sflag:$0x2] =	stream.indirect_vreg.gather [hbm4b:s1+s3], $0x80, v3, vm0, $0xb8;
	[tilespmem:$0x10400] =	vst v63  }
0x8c: {  	v3 =	vld [tilespmem:$0xB0];
	_ =	sdelay $0x4  }
0x8d: {  	v11 =	vshll.u32 v3, $0x1  }
0x8e: {  	v3 =	vand.u32 $0x7, v3;
	v4 =	vand.u32 $0xFFFFFFF0, v11  }
0x8f: {  	v3 =	vor.u32 v3, v4  }
0x90: {  	v4 =	vperm.xlane v3, v0;
	_ =	sdelay $0x1  }
0x91: {  	v3 =	vperm.xlane v3, v2;
	v4 =	vadd.s32 v1, v4;
	_ =	sdelay $0x1  }
0x92: {  	v3 =	vadd.s32 v1, v3;
	_ =	sdelay $0x1  }
0x93: {  	s30 =	simm.s32 $0xB400  }
0x94: {  	[tilespmem:s30], [sflag:$0x2] =	stream.indirect_vreg.gather [hbm4b:s1+s3], $0x80, v4, vm0, $0xb8;
	[tilespmem:$0x10400] =	vst v63  }
0x95: {  	s31 =	simm.s32 $0xBC00  }
0x96: {  	[tilespmem:s31], [sflag:$0x2] =	stream.indirect_vreg.gather [hbm4b:s1+s3], $0x80, v3, vm0, $0xb8;
	[tilespmem:$0x10400] =	vst v63  }
0x97: {  	v3 =	vld [tilespmem:$0xC0];
	_ =	sdelay $0x4  }
0x98: {  	v12 =	vshll.u32 v3, $0x1  }
0x99: {  	v3 =	vand.u32 $0x7, v3;
	v4 =	vand.u32 $0xFFFFFFF0, v12  }
0x9a: {  	v3 =	vor.u32 v3, v4  }
0x9b: {  	v4 =	vperm.xlane v3, v0;
	_ =	sdelay $0x1  }
0x9c: {  	v3 =	vperm.xlane v3, v2;
	v4 =	vadd.s32 v1, v4;
	_ =	sdelay $0x1  }
0x9d: {  	v3 =	vadd.s32 v1, v3;
	_ =	sdelay $0x1  }
0x9e: {  	s0 =	simm.s32 $0xC400  }
0x9f: {  	[tilespmem:s0], [sflag:$0x2] =	stream.indirect_vreg.gather [hbm4b:s1+s3], $0x80, v4, vm0, $0xb8;
	[tilespmem:$0x10400] =	vst v63  }
0xa0: {  	s16 =	simm.s32 $0xCC00  }
0xa1: {  	[tilespmem:s16], [sflag:$0x2] =	stream.indirect_vreg.gather [hbm4b:s1+s3], $0x80, v3, vm0, $0xb8;
	[tilespmem:$0x10400] =	vst v63  }
0xa2: {  	v3 =	vld [tilespmem:$0xD0];
	_ =	sdelay $0x4  }
0xa3: {  	v13 =	vshll.u32 v3, $0x1  }
0xa4: {  	v3 =	vand.u32 $0x7, v3;
	v4 =	vand.u32 $0xFFFFFFF0, v13  }
0xa5: {  	v3 =	vor.u32 v3, v4  }
0xa6: {  	v4 =	vperm.xlane v3, v0;
	_ =	sdelay $0x1  }
0xa7: {  	v3 =	vperm.xlane v3, v2;
	v4 =	vadd.s32 v1, v4;
	_ =	sdelay $0x1  }
0xa8: {  	v3 =	vadd.s32 v1, v3;
	_ =	sdelay $0x1  }
0xa9: {  	s17 =	simm.s32 $0xD400  }
0xaa: {  	[tilespmem:s17], [sflag:$0x2] =	stream.indirect_vreg.gather [hbm4b:s1+s3], $0x80, v4, vm0, $0xb8;
	[tilespmem:$0x10400] =	vst v63  }
0xab: {  	s19 =	simm.s32 $0xDC00  }
0xac: {  	[tilespmem:s19], [sflag:$0x2] =	stream.indirect_vreg.gather [hbm4b:s1+s3], $0x80, v3, vm0, $0xb8;
	[tilespmem:$0x10400] =	vst v63  }
0xad: {  	v3 =	vld [tilespmem:$0xE0];
	_ =	sdelay $0x4  }
0xae: {  	v14 =	vshll.u32 v3, $0x1  }
0xaf: {  	v3 =	vand.u32 $0x7, v3;
	v4 =	vand.u32 $0xFFFFFFF0, v14  }
0xb0: {  	v3 =	vor.u32 v3, v4  }
0xb1: {  	v4 =	vperm.xlane v3, v0;
	_ =	sdelay $0x1  }
0xb2: {  	v3 =	vperm.xlane v3, v2;
	v4 =	vadd.s32 v1, v4;
	_ =	sdelay $0x1  }
0xb3: {  	v3 =	vadd.s32 v1, v3;
	_ =	sdelay $0x1  }
0xb4: {  	s20 =	simm.s32 $0xE400  }
0xb5: {  	[tilespmem:s20], [sflag:$0x2] =	stream.indirect_vreg.gather [hbm4b:s1+s3], $0x80, v4, vm0, $0xb8;
	[tilespmem:$0x10400] =	vst v63  }
0xb6: {  	s23 =	simm.s32 $0xEC00  }
0xb7: {  	[tilespmem:s23], [sflag:$0x2] =	stream.indirect_vreg.gather [hbm4b:s1+s3], $0x80, v3, vm0, $0xb8;
	[tilespmem:$0x10400] =	vst v63  }
0xb8: {  	v3 =	vld [tilespmem:$0xF0];
	_ =	sdelay $0x4  }
0xb9: {  	v15 =	vshll.u32 v3, $0x1  }
0xba: {  	v3 =	vand.u32 $0x7, v3;
	v4 =	vand.u32 $0xFFFFFFF0, v15  }
0xbb: {  	v3 =	vor.u32 v3, v4  }
0xbc: {  	v4 =	vperm.xlane v3, v0;
	_ =	sdelay $0x1  }
0xbd: {  	v3 =	vperm.xlane v3, v2;
	v4 =	vadd.s32 v1, v4;
	_ =	sdelay $0x1  }
0xbe: {  	v3 =	vadd.s32 v1, v3;
	_ =	sdelay $0x1  }
0xbf: {  	s28 =	simm.s32 $0xF400  }
0xc0: {  	[tilespmem:s28], [sflag:$0x2] =	stream.indirect_vreg.gather [hbm4b:s1+s3], $0x80, v4, vm0, $0xb8;
	[tilespmem:$0x10400] =	vst v63  }
0xc1: {  	s31 =	simm.s32 $0xFC00  }
0xc2: {  	[tilespmem:s31], [sflag:$0x2] =	stream.indirect_vreg.gather [hbm4b:s1+s3], $0x80, v3, vm0, $0xb8;
	[tilespmem:$0x10400] =	vst v63  }
0xc3: {  	_ =	swait.ge [sflag:s11], $0x8000  }
0xc4: {  	[sflag:s11] =	ssyncset.done $0x0  }
0xc5: {  	s0 =	rddreg [dreg:$0x5];
	[sflag:s11] =	ssyncadd.s32 $0xFFFF8000  }
0xc6: {  	[hbm4b:s0+s3] =	stream.linear.scatter [tilespmem:s26], [sflag:$0x3], $0x8000, $0x38;
	[tilespmem:$0x10400] =	vst v63  }
0xc7: {  	_ =	swait.ge [sflag:s12], $0x8000  }
0xc8: {  	[sflag:s12] =	ssyncset.done $0x0  }
0xc9: {  	[sflag:s12] =	ssyncadd.s32 $0xFFFF8000  }
0xca: {  	v3 =	vld [tilespmem:$0x100];
	_ =	sdelay $0x4  }
0xcb: {  	v16 =	vshll.u32 v3, $0x1  }
0xcc: {  	v3 =	vand.u32 $0x7, v3;
	v4 =	vand.u32 $0xFFFFFFF0, v16  }
0xcd: {  	v3 =	vor.u32 v3, v4  }
0xce: {  	v4 =	vperm.xlane v3, v0;
	_ =	sdelay $0x1  }
0xcf: {  	v3 =	vperm.xlane v3, v2;
	v4 =	vadd.s32 v1, v4;
	_ =	sdelay $0x1  }
0xd0: {  	v3 =	vadd.s32 v1, v3;
	_ =	sdelay $0x2  }
0xd1: {  	[tilespmem:s26], [sflag:$0x1] =	stream.indirect_vreg.gather [hbm4b:s1+s3], $0x80, v4, vm0, $0xb8;
	[tilespmem:$0x10400] =	vst v63  }
0xd2: {  	s7 =	simm.s32 $0xC00  }
0xd3: {  	[tilespmem:s7], [sflag:$0x1] =	stream.indirect_vreg.gather [hbm4b:s1+s3], $0x80, v3, vm0, $0xb8;
	[tilespmem:$0x10400] =	vst v63  }
0xd4: {  	v3 =	vld [tilespmem:$0x110];
	_ =	sdelay $0x4  }
0xd5: {  	v17 =	vshll.u32 v3, $0x1  }
0xd6: {  	v3 =	vand.u32 $0x7, v3;
	v4 =	vand.u32 $0xFFFFFFF0, v17  }
0xd7: {  	v3 =	vor.u32 v3, v4  }
0xd8: {  	v4 =	vperm.xlane v3, v0;
	_ =	sdelay $0x1  }
0xd9: {  	v3 =	vperm.xlane v3, v2;
	v4 =	vadd.s32 v1, v4;
	_ =	sdelay $0x1  }
0xda: {  	v3 =	vadd.s32 v1, v3;
	_ =	sdelay $0x1  }
0xdb: {  	s5 =	simm.s32 $0x1400  }
0xdc: {  	[tilespmem:s5], [sflag:$0x1] =	stream.indirect_vreg.gather [hbm4b:s1+s3], $0x80, v4, vm0, $0xb8;
	[tilespmem:$0x10400] =	vst v63  }
0xdd: {  	s8 =	simm.s32 $0x1C00  }
0xde: {  	[tilespmem:s8], [sflag:$0x1] =	stream.indirect_vreg.gather [hbm4b:s1+s3], $0x80, v3, vm0, $0xb8;
	[tilespmem:$0x10400] =	vst v63  }
0xdf: {  	v3 =	vld [tilespmem:$0x120];
	_ =	sdelay $0x4  }
0xe0: {  	v18 =	vshll.u32 v3, $0x1  }
0xe1: {  	v3 =	vand.u32 $0x7, v3;
	v4 =	vand.u32 $0xFFFFFFF0, v18  }
0xe2: {  	v3 =	vor.u32 v3, v4  }
0xe3: {  	v4 =	vperm.xlane v3, v0;
	_ =	sdelay $0x1  }
0xe4: {  	v3 =	vperm.xlane v3, v2;
	v4 =	vadd.s32 v1, v4;
	_ =	sdelay $0x1  }
0xe5: {  	v3 =	vadd.s32 v1, v3;
	_ =	sdelay $0x1  }
0xe6: {  	s6 =	simm.s32 $0x2400  }
0xe7: {  	[tilespmem:s6], [sflag:$0x1] =	stream.indirect_vreg.gather [hbm4b:s1+s3], $0x80, v4, vm0, $0xb8;
	[tilespmem:$0x10400] =	vst v63  }
0xe8: {  	s23 =	simm.s32 $0x2C00  }
0xe9: {  	[tilespmem:s23], [sflag:$0x1] =	stream.indirect_vreg.gather [hbm4b:s1+s3], $0x80, v3, vm0, $0xb8;
	[tilespmem:$0x10400] =	vst v63  }
0xea: {  	v3 =	vld [tilespmem:$0x130];
	_ =	sdelay $0x4  }
0xeb: {  	v19 =	vshll.u32 v3, $0x1  }
0xec: {  	v3 =	vand.u32 $0x7, v3;
	v4 =	vand.u32 $0xFFFFFFF0, v19  }
0xed: {  	v3 =	vor.u32 v3, v4  }
0xee: {  	v4 =	vperm.xlane v3, v0;
	_ =	sdelay $0x1  }
0xef: {  	v3 =	vperm.xlane v3, v2;
	v4 =	vadd.s32 v1, v4;
	_ =	sdelay $0x1  }
0xf0: {  	v3 =	vadd.s32 v1, v3;
	_ =	sdelay $0x1  }
0xf1: {  	s7 =	simm.s32 $0x3400  }
0xf2: {  	[tilespmem:s7], [sflag:$0x1] =	stream.indirect_vreg.gather [hbm4b:s1+s3], $0x80, v4, vm0, $0xb8;
	[tilespmem:$0x10400] =	vst v63  }
0xf3: {  	s9 =	simm.s32 $0x3C00  }
0xf4: {  	[tilespmem:s9], [sflag:$0x1] =	stream.indirect_vreg.gather [hbm4b:s1+s3], $0x80, v3, vm0, $0xb8;
	[tilespmem:$0x10400] =	vst v63  }
0xf5: {  	v3 =	vld [tilespmem:$0x140];
	_ =	sdelay $0x4  }
0xf6: {  	v20 =	vshll.u32 v3, $0x1  }
0xf7: {  	v3 =	vand.u32 $0x7, v3;
	v4 =	vand.u32 $0xFFFFFFF0, v20  }
0xf8: {  	v3 =	vor.u32 v3, v4  }
0xf9: {  	v4 =	vperm.xlane v3, v0;
	_ =	sdelay $0x1  }
0xfa: {  	v3 =	vperm.xlane v3, v2;
	v4 =	vadd.s32 v1, v4;
	_ =	sdelay $0x1  }
0xfb: {  	v3 =	vadd.s32 v1, v3;
	_ =	sdelay $0x1  }
0xfc: {  	s8 =	simm.s32 $0x4400  }
0xfd: {  	[tilespmem:s8], [sflag:$0x1] =	stream.indirect_vreg.gather [hbm4b:s1+s3], $0x80, v4, vm0, $0xb8;
	[tilespmem:$0x10400] =	vst v63  }
0xfe: {  	s16 =	simm.s32 $0x4C00  }
0xff: {  	[tilespmem:s16], [sflag:$0x1] =	stream.indirect_vreg.gather [hbm4b:s1+s3], $0x80, v3, vm0, $0xb8;
	[tilespmem:$0x10400] =	vst v63  }
0x100: {  	v3 =	vld [tilespmem:$0x150];
	_ =	sdelay $0x4  }
0x101: {  	v21 =	vshll.u32 v3, $0x1  }
0x102: {  	v3 =	vand.u32 $0x7, v3;
	v4 =	vand.u32 $0xFFFFFFF0, v21  }
0x103: {  	v3 =	vor.u32 v3, v4  }
0x104: {  	v4 =	vperm.xlane v3, v0;
	_ =	sdelay $0x1  }
0x105: {  	v3 =	vperm.xlane v3, v2;
	v4 =	vadd.s32 v1, v4;
	_ =	sdelay $0x1  }
0x106: {  	v3 =	vadd.s32 v1, v3;
	_ =	sdelay $0x1  }
0x107: {  	s9 =	simm.s32 $0x5400  }
0x108: {  	[tilespmem:s9], [sflag:$0x1] =	stream.indirect_vreg.gather [hbm4b:s1+s3], $0x80, v4, vm0, $0xb8;
	[tilespmem:$0x10400] =	vst v63  }
0x109: {  	s17 =	simm.s32 $0x5C00  }
0x10a: {  	[tilespmem:s17], [sflag:$0x1] =	stream.indirect_vreg.gather [hbm4b:s1+s3], $0x80, v3, vm0, $0xb8;
	[tilespmem:$0x10400] =	vst v63  }
0x10b: {  	v3 =	vld [tilespmem:$0x160];
	_ =	sdelay $0x4  }
0x10c: {  	v22 =	vshll.u32 v3, $0x1  }
0x10d: {  	v3 =	vand.u32 $0x7, v3;
	v4 =	vand.u32 $0xFFFFFFF0, v22  }
0x10e: {  	v3 =	vor.u32 v3, v4  }
0x10f: {  	v4 =	vperm.xlane v3, v0;
	_ =	sdelay $0x1  }
0x110: {  	v3 =	vperm.xlane v3, v2;
	v4 =	vadd.s32 v1, v4;
	_ =	sdelay $0x1  }
0x111: {  	v3 =	vadd.s32 v1, v3;
	_ =	sdelay $0x1  }
0x112: {  	s10 =	simm.s32 $0x6400  }
0x113: {  	[tilespmem:s10], [sflag:$0x1] =	stream.indirect_vreg.gather [hbm4b:s1+s3], $0x80, v4, vm0, $0xb8;
	[tilespmem:$0x10400] =	vst v63  }
0x114: {  	s18 =	simm.s32 $0x6C00  }
0x115: {  	[tilespmem:s18], [sflag:$0x1] =	stream.indirect_vreg.gather [hbm4b:s1+s3], $0x80, v3, vm0, $0xb8;
	[tilespmem:$0x10400] =	vst v63  }
0x116: {  	v3 =	vld [tilespmem:$0x170];
	_ =	sdelay $0x4  }
0x117: {  	v23 =	vshll.u32 v3, $0x1  }
0x118: {  	v3 =	vand.u32 $0x7, v3;
	v4 =	vand.u32 $0xFFFFFFF0, v23  }
0x119: {  	v3 =	vor.u32 v3, v4  }
0x11a: {  	v4 =	vperm.xlane v3, v0;
	_ =	sdelay $0x1  }
0x11b: {  	v3 =	vperm.xlane v3, v2;
	v4 =	vadd.s32 v1, v4;
	_ =	sdelay $0x1  }
0x11c: {  	v3 =	vadd.s32 v1, v3;
	_ =	sdelay $0x1  }
0x11d: {  	s18 =	simm.s32 $0x7400  }
0x11e: {  	[tilespmem:s18], [sflag:$0x1] =	stream.indirect_vreg.gather [hbm4b:s1+s3], $0x80, v4, vm0, $0xb8;
	[tilespmem:$0x10400] =	vst v63  }
0x11f: {  	s10 =	simm.s32 $0x7C00  }
0x120: {  	[tilespmem:s10], [sflag:$0x1] =	stream.indirect_vreg.gather [hbm4b:s1+s3], $0x80, v3, vm0, $0xb8;
	[tilespmem:$0x10400] =	vst v63  }
0x121: {  	_ =	swait.ge [sflag:s13], $0x8000  }
0x122: {  	[sflag:s13] =	ssyncset.done $0x0  }
0x123: {  	s6 =	rddreg [dreg:$0x6];
	[sflag:s13] =	ssyncadd.s32 $0xFFFF8000  }
0x124: {  	[hbm4b:s6+s3] =	stream.linear.scatter [tilespmem:s22], [sflag:$0x4], $0x8000, $0x38;
	[tilespmem:$0x10400] =	vst v63  }
0x125: {  	_ =	swait.ge [sflag:s14], $0x8000  }
0x126: {  	[sflag:s14] =	ssyncset.done $0x0  }
0x127: {  	[sflag:s14] =	ssyncadd.s32 $0xFFFF8000  }
0x128: {  	v3 =	vld [tilespmem:$0x180];
	_ =	sdelay $0x4  }
0x129: {  	v24 =	vshll.u32 v3, $0x1  }
0x12a: {  	v3 =	vand.u32 $0x7, v3;
	v4 =	vand.u32 $0xFFFFFFF0, v24  }
0x12b: {  	v3 =	vor.u32 v3, v4  }
0x12c: {  	v4 =	vperm.xlane v3, v0;
	_ =	sdelay $0x1  }
0x12d: {  	v3 =	vperm.xlane v3, v2;
	v4 =	vadd.s32 v1, v4;
	_ =	sdelay $0x1  }
0x12e: {  	v3 =	vadd.s32 v1, v3;
	_ =	sdelay $0x2  }
0x12f: {  	[tilespmem:s22], [sflag:$0x2] =	stream.indirect_vreg.gather [hbm4b:s1+s3], $0x80, v4, vm0, $0xb8;
	[tilespmem:$0x10400] =	vst v63  }
0x130: {  	s2 =	simm.s32 $0x8C00  }
0x131: {  	[tilespmem:s2], [sflag:$0x2] =	stream.indirect_vreg.gather [hbm4b:s1+s3], $0x80, v3, vm0, $0xb8;
	[tilespmem:$0x10400] =	vst v63  }
0x132: {  	v3 =	vld [tilespmem:$0x190];
	_ =	sdelay $0x4  }
0x133: {  	v25 =	vshll.u32 v3, $0x1  }
0x134: {  	v3 =	vand.u32 $0x7, v3;
	v4 =	vand.u32 $0xFFFFFFF0, v25  }
0x135: {  	v3 =	vor.u32 v3, v4  }
0x136: {  	v4 =	vperm.xlane v3, v0;
	_ =	sdelay $0x1  }
0x137: {  	v3 =	vperm.xlane v3, v2;
	v4 =	vadd.s32 v1, v4;
	_ =	sdelay $0x1  }
0x138: {  	v3 =	vadd.s32 v1, v3;
	_ =	sdelay $0x1  }
0x139: {  	s0 =	simm.s32 $0x9400  }
0x13a: {  	[tilespmem:s0], [sflag:$0x2] =	stream.indirect_vreg.gather [hbm4b:s1+s3], $0x80, v4, vm0, $0xb8;
	[tilespmem:$0x10400] =	vst v63  }
0x13b: {  	s5 =	simm.s32 $0x9C00  }
0x13c: {  	[tilespmem:s5], [sflag:$0x2] =	stream.indirect_vreg.gather [hbm4b:s1+s3], $0x80, v3, vm0, $0xb8;
	[tilespmem:$0x10400] =	vst v63  }
0x13d: {  	v3 =	vld [tilespmem:$0x1A0];
	_ =	sdelay $0x4  }
0x13e: {  	v26 =	vshll.u32 v3, $0x1  }
0x13f: {  	v3 =	vand.u32 $0x7, v3;
	v4 =	vand.u32 $0xFFFFFFF0, v26  }
0x140: {  	v3 =	vor.u32 v3, v4  }
0x141: {  	v4 =	vperm.xlane v3, v0;
	_ =	sdelay $0x1  }
0x142: {  	v3 =	vperm.xlane v3, v2;
	v4 =	vadd.s32 v1, v4;
	_ =	sdelay $0x1  }
0x143: {  	v3 =	vadd.s32 v1, v3;
	_ =	sdelay $0x1  }
0x144: {  	s2 =	simm.s32 $0xA400  }
0x145: {  	[tilespmem:s2], [sflag:$0x2] =	stream.indirect_vreg.gather [hbm4b:s1+s3], $0x80, v4, vm0, $0xb8;
	[tilespmem:$0x10400] =	vst v63  }
0x146: {  	s6 =	simm.s32 $0xAC00  }
0x147: {  	[tilespmem:s6], [sflag:$0x2] =	stream.indirect_vreg.gather [hbm4b:s1+s3], $0x80, v3, vm0, $0xb8;
	[tilespmem:$0x10400] =	vst v63  }
0x148: {  	v3 =	vld [tilespmem:$0x1B0];
	_ =	sdelay $0x4  }
0x149: {  	v27 =	vshll.u32 v3, $0x1  }
0x14a: {  	v3 =	vand.u32 $0x7, v3;
	v4 =	vand.u32 $0xFFFFFFF0, v27  }
0x14b: {  	v3 =	vor.u32 v3, v4  }
0x14c: {  	v4 =	vperm.xlane v3, v0;
	_ =	sdelay $0x1  }
0x14d: {  	v3 =	vperm.xlane v3, v2;
	v4 =	vadd.s32 v1, v4;
	_ =	sdelay $0x1  }
0x14e: {  	v3 =	vadd.s32 v1, v3;
	_ =	sdelay $0x1  }
0x14f: {  	s29 =	simm.s32 $0xB400  }
0x150: {  	[tilespmem:s29], [sflag:$0x2] =	stream.indirect_vreg.gather [hbm4b:s1+s3], $0x80, v4, vm0, $0xb8;
	[tilespmem:$0x10400] =	vst v63  }
0x151: {  	s21 =	simm.s32 $0xBC00  }
0x152: {  	[tilespmem:s21], [sflag:$0x2] =	stream.indirect_vreg.gather [hbm4b:s1+s3], $0x80, v3, vm0, $0xb8;
	[tilespmem:$0x10400] =	vst v63  }
0x153: {  	v3 =	vld [tilespmem:$0x1C0];
	_ =	sdelay $0x4  }
0x154: {  	v28 =	vshll.u32 v3, $0x1  }
0x155: {  	v3 =	vand.u32 $0x7, v3;
	v4 =	vand.u32 $0xFFFFFFF0, v28  }
0x156: {  	v3 =	vor.u32 v3, v4  }
0x157: {  	v4 =	vperm.xlane v3, v0;
	_ =	sdelay $0x1  }
0x158: {  	v3 =	vperm.xlane v3, v2;
	v4 =	vadd.s32 v1, v4;
	_ =	sdelay $0x1  }
0x159: {  	v3 =	vadd.s32 v1, v3;
	_ =	sdelay $0x1  }
0x15a: {  	s30 =	simm.s32 $0xC400  }
0x15b: {  	[tilespmem:s30], [sflag:$0x2] =	stream.indirect_vreg.gather [hbm4b:s1+s3], $0x80, v4, vm0, $0xb8;
	[tilespmem:$0x10400] =	vst v63  }
0x15c: {  	s24 =	simm.s32 $0xCC00  }
0x15d: {  	[tilespmem:s24], [sflag:$0x2] =	stream.indirect_vreg.gather [hbm4b:s1+s3], $0x80, v3, vm0, $0xb8;
	[tilespmem:$0x10400] =	vst v63  }
0x15e: {  	v3 =	vld [tilespmem:$0x1D0];
	_ =	sdelay $0x4  }
0x15f: {  	v29 =	vshll.u32 v3, $0x1  }
0x160: {  	v3 =	vand.u32 $0x7, v3;
	v4 =	vand.u32 $0xFFFFFFF0, v29  }
0x161: {  	v3 =	vor.u32 v3, v4  }
0x162: {  	v4 =	vperm.xlane v3, v0;
	_ =	sdelay $0x1  }
0x163: {  	v3 =	vperm.xlane v3, v2;
	v4 =	vadd.s32 v1, v4;
	_ =	sdelay $0x1  }
0x164: {  	v3 =	vadd.s32 v1, v3;
	_ =	sdelay $0x1  }
0x165: {  	s21 =	simm.s32 $0xD400  }
0x166: {  	[tilespmem:s21], [sflag:$0x2] =	stream.indirect_vreg.gather [hbm4b:s1+s3], $0x80, v4, vm0, $0xb8;
	[tilespmem:$0x10400] =	vst v63  }
0x167: {  	s25 =	simm.s32 $0xDC00  }
0x168: {  	[tilespmem:s25], [sflag:$0x2] =	stream.indirect_vreg.gather [hbm4b:s1+s3], $0x80, v3, vm0, $0xb8;
	[tilespmem:$0x10400] =	vst v63  }
0x169: {  	v3 =	vld [tilespmem:$0x1E0];
	_ =	sdelay $0x4  }
0x16a: {  	v30 =	vshll.u32 v3, $0x1  }
0x16b: {  	v3 =	vand.u32 $0x7, v3;
	v4 =	vand.u32 $0xFFFFFFF0, v30  }
0x16c: {  	v3 =	vor.u32 v3, v4  }
0x16d: {  	v4 =	vperm.xlane v3, v0;
	_ =	sdelay $0x1  }
0x16e: {  	v3 =	vperm.xlane v3, v2;
	v4 =	vadd.s32 v1, v4;
	_ =	sdelay $0x1  }
0x16f: {  	v3 =	vadd.s32 v1, v3;
	_ =	sdelay $0x1  }
0x170: {  	s24 =	simm.s32 $0xE400  }
0x171: {  	[tilespmem:s24], [sflag:$0x2] =	stream.indirect_vreg.gather [hbm4b:s1+s3], $0x80, v4, vm0, $0xb8;
	[tilespmem:$0x10400] =	vst v63  }
0x172: {  	s19 =	simm.s32 $0xEC00  }
0x173: {  	[tilespmem:s19], [sflag:$0x2] =	stream.indirect_vreg.gather [hbm4b:s1+s3], $0x80, v3, vm0, $0xb8;
	[tilespmem:$0x10400] =	vst v63  }
0x174: {  	v3 =	vld [tilespmem:$0x1F0];
	_ =	sdelay $0x4  }
0x175: {  	v31 =	vshll.u32 v3, $0x1  }
0x176: {  	v3 =	vand.u32 $0x7, v3;
	v4 =	vand.u32 $0xFFFFFFF0, v31  }
0x177: {  	v3 =	vor.u32 v3, v4  }
0x178: {  	v4 =	vperm.xlane v3, v0;
	_ =	sdelay $0x1  }
0x179: {  	v3 =	vperm.xlane v3, v2;
	v4 =	vadd.s32 v1, v4;
	_ =	sdelay $0x1  }
0x17a: {  	v3 =	vadd.s32 v1, v3;
	_ =	sdelay $0x1  }
0x17b: {  	s19 =	simm.s32 $0xF400  }
0x17c: {  	[tilespmem:s19], [sflag:$0x2] =	stream.indirect_vreg.gather [hbm4b:s1+s3], $0x80, v4, vm0, $0xb8;
	[tilespmem:$0x10400] =	vst v63  }
0x17d: {  	s20 =	simm.s32 $0xFC00  }
0x17e: {  	[tilespmem:s20], [sflag:$0x2] =	stream.indirect_vreg.gather [hbm4b:s1+s3], $0x80, v3, vm0, $0xb8;
	[tilespmem:$0x10400] =	vst v63  }
0x17f: {  	_ =	swait.ge [sflag:s11], $0x8000  }
0x180: {  	[sflag:s11] =	ssyncset.done $0x0  }
0x181: {  	s20 =	rddreg [dreg:$0x7];
	[sflag:s11] =	ssyncadd.s32 $0xFFFF8000  }
0x182: {  	[hbm4b:s20+s3] =	stream.linear.scatter [tilespmem:s26], [sflag:$0x3], $0x8000, $0x38;
	[tilespmem:$0x10400] =	vst v63  }
0x183: {  	_ =	swait.ge [sflag:s12], $0x8000  }
0x184: {  	[sflag:s12] =	ssyncset.done $0x0  }
0x185: {  	[sflag:s12] =	ssyncadd.s32 $0xFFFF8000  }
0x186: {  	v3 =	vld [tilespmem:$0x200];
	_ =	sdelay $0x4  }
0x187: {  	v32 =	vshll.u32 v3, $0x1  }
0x188: {  	v3 =	vand.u32 $0x7, v3;
	v4 =	vand.u32 $0xFFFFFFF0, v32  }
0x189: {  	v3 =	vor.u32 v3, v4  }
0x18a: {  	v4 =	vperm.xlane v3, v0;
	_ =	sdelay $0x1  }
0x18b: {  	v3 =	vperm.xlane v3, v2;
	v4 =	vadd.s32 v1, v4;
	_ =	sdelay $0x1  }
0x18c: {  	v3 =	vadd.s32 v1, v3;
	_ =	sdelay $0x2  }
0x18d: {  	[tilespmem:s26], [sflag:$0x1] =	stream.indirect_vreg.gather [hbm4b:s1+s3], $0x80, v4, vm0, $0xb8;
	[tilespmem:$0x10400] =	vst v63  }
0x18e: {  	s19 =	simm.s32 $0xC00  }
0x18f: {  	[tilespmem:s19], [sflag:$0x1] =	stream.indirect_vreg.gather [hbm4b:s1+s3], $0x80, v3, vm0, $0xb8;
	[tilespmem:$0x10400] =	vst v63  }
0x190: {  	v3 =	vld [tilespmem:$0x210];
	_ =	sdelay $0x4  }
0x191: {  	v33 =	vshll.u32 v3, $0x1  }
0x192: {  	v3 =	vand.u32 $0x7, v3;
	v4 =	vand.u32 $0xFFFFFFF0, v33  }
0x193: {  	v3 =	vor.u32 v3, v4  }
0x194: {  	v4 =	vperm.xlane v3, v0;
	_ =	sdelay $0x1  }
0x195: {  	v3 =	vperm.xlane v3, v2;
	v4 =	vadd.s32 v1, v4;
	_ =	sdelay $0x1  }
0x196: {  	v3 =	vadd.s32 v1, v3;
	_ =	sdelay $0x1  }
0x197: {  	s20 =	simm.s32 $0x1400  }
0x198: {  	[tilespmem:s20], [sflag:$0x1] =	stream.indirect_vreg.gather [hbm4b:s1+s3], $0x80, v4, vm0, $0xb8;
	[tilespmem:$0x10400] =	vst v63  }
0x199: {  	s19 =	simm.s32 $0x1C00  }
0x19a: {  	[tilespmem:s19], [sflag:$0x1] =	stream.indirect_vreg.gather [hbm4b:s1+s3], $0x80, v3, vm0, $0xb8;
	[tilespmem:$0x10400] =	vst v63  }
0x19b: {  	v3 =	vld [tilespmem:$0x220];
	_ =	sdelay $0x4  }
0x19c: {  	v34 =	vshll.u32 v3, $0x1  }
0x19d: {  	v3 =	vand.u32 $0x7, v3;
	v4 =	vand.u32 $0xFFFFFFF0, v34  }
0x19e: {  	v3 =	vor.u32 v3, v4  }
0x19f: {  	v4 =	vperm.xlane v3, v0;
	_ =	sdelay $0x1  }
0x1a0: {  	v3 =	vperm.xlane v3, v2;
	v4 =	vadd.s32 v1, v4;
	_ =	sdelay $0x1  }
0x1a1: {  	v3 =	vadd.s32 v1, v3;
	_ =	sdelay $0x1  }
0x1a2: {  	s20 =	simm.s32 $0x2400  }
0x1a3: {  	[tilespmem:s20], [sflag:$0x1] =	stream.indirect_vreg.gather [hbm4b:s1+s3], $0x80, v4, vm0, $0xb8;
	[tilespmem:$0x10400] =	vst v63  }
0x1a4: {  	_ = 	snop  }
0x1a5: {  	[tilespmem:s23], [sflag:$0x1] =	stream.indirect_vreg.gather [hbm4b:s1+s3], $0x80, v3, vm0, $0xb8;
	[tilespmem:$0x10400] =	vst v63  }
0x1a6: {  	v3 =	vld [tilespmem:$0x230];
	_ =	sdelay $0x4  }
0x1a7: {  	v35 =	vshll.u32 v3, $0x1  }
0x1a8: {  	v3 =	vand.u32 $0x7, v3;
	v4 =	vand.u32 $0xFFFFFFF0, v35  }
0x1a9: {  	v3 =	vor.u32 v3, v4  }
0x1aa: {  	v4 =	vperm.xlane v3, v0;
	_ =	sdelay $0x1  }
0x1ab: {  	v3 =	vperm.xlane v3, v2;
	v4 =	vadd.s32 v1, v4;
	_ =	sdelay $0x1  }
0x1ac: {  	v3 =	vadd.s32 v1, v3;
	_ =	sdelay $0x2  }
0x1ad: {  	[tilespmem:s7], [sflag:$0x1] =	stream.indirect_vreg.gather [hbm4b:s1+s3], $0x80, v4, vm0, $0xb8;
	[tilespmem:$0x10400] =	vst v63  }
0x1ae: {  	s23 =	simm.s32 $0x3C00  }
0x1af: {  	[tilespmem:s23], [sflag:$0x1] =	stream.indirect_vreg.gather [hbm4b:s1+s3], $0x80, v3, vm0, $0xb8;
	[tilespmem:$0x10400] =	vst v63  }
0x1b0: {  	v3 =	vld [tilespmem:$0x240];
	_ =	sdelay $0x4  }
0x1b1: {  	v36 =	vshll.u32 v3, $0x1  }
0x1b2: {  	v3 =	vand.u32 $0x7, v3;
	v4 =	vand.u32 $0xFFFFFFF0, v36  }
0x1b3: {  	v3 =	vor.u32 v3, v4  }
0x1b4: {  	v4 =	vperm.xlane v3, v0;
	_ =	sdelay $0x1  }
0x1b5: {  	v3 =	vperm.xlane v3, v2;
	v4 =	vadd.s32 v1, v4;
	_ =	sdelay $0x1  }
0x1b6: {  	v3 =	vadd.s32 v1, v3;
	_ =	sdelay $0x2  }
0x1b7: {  	[tilespmem:s8], [sflag:$0x1] =	stream.indirect_vreg.gather [hbm4b:s1+s3], $0x80, v4, vm0, $0xb8;
	[tilespmem:$0x10400] =	vst v63  }
0x1b8: {  	_ = 	snop  }
0x1b9: {  	[tilespmem:s16], [sflag:$0x1] =	stream.indirect_vreg.gather [hbm4b:s1+s3], $0x80, v3, vm0, $0xb8;
	[tilespmem:$0x10400] =	vst v63  }
0x1ba: {  	v3 =	vld [tilespmem:$0x250];
	_ =	sdelay $0x4  }
0x1bb: {  	v37 =	vshll.u32 v3, $0x1  }
0x1bc: {  	v3 =	vand.u32 $0x7, v3;
	v4 =	vand.u32 $0xFFFFFFF0, v37  }
0x1bd: {  	v3 =	vor.u32 v3, v4  }
0x1be: {  	v4 =	vperm.xlane v3, v0;
	_ =	sdelay $0x1  }
0x1bf: {  	v3 =	vperm.xlane v3, v2;
	v4 =	vadd.s32 v1, v4;
	_ =	sdelay $0x1  }
0x1c0: {  	v3 =	vadd.s32 v1, v3;
	_ =	sdelay $0x2  }
0x1c1: {  	[tilespmem:s9], [sflag:$0x1] =	stream.indirect_vreg.gather [hbm4b:s1+s3], $0x80, v4, vm0, $0xb8;
	[tilespmem:$0x10400] =	vst v63  }
0x1c2: {  	_ = 	snop  }
0x1c3: {  	[tilespmem:s17], [sflag:$0x1] =	stream.indirect_vreg.gather [hbm4b:s1+s3], $0x80, v3, vm0, $0xb8;
	[tilespmem:$0x10400] =	vst v63  }
0x1c4: {  	v3 =	vld [tilespmem:$0x260];
	_ =	sdelay $0x4  }
0x1c5: {  	v38 =	vshll.u32 v3, $0x1  }
0x1c6: {  	v3 =	vand.u32 $0x7, v3;
	v4 =	vand.u32 $0xFFFFFFF0, v38  }
0x1c7: {  	v3 =	vor.u32 v3, v4  }
0x1c8: {  	v4 =	vperm.xlane v3, v0;
	_ =	sdelay $0x1  }
0x1c9: {  	v3 =	vperm.xlane v3, v2;
	v4 =	vadd.s32 v1, v4;
	_ =	sdelay $0x1  }
0x1ca: {  	v3 =	vadd.s32 v1, v3;
	_ =	sdelay $0x1  }
0x1cb: {  	s19 =	simm.s32 $0x6400  }
0x1cc: {  	[tilespmem:s19], [sflag:$0x1] =	stream.indirect_vreg.gather [hbm4b:s1+s3], $0x80, v4, vm0, $0xb8;
	[tilespmem:$0x10400] =	vst v63  }
0x1cd: {  	s23 =	simm.s32 $0x6C00  }
0x1ce: {  	[tilespmem:s23], [sflag:$0x1] =	stream.indirect_vreg.gather [hbm4b:s1+s3], $0x80, v3, vm0, $0xb8;
	[tilespmem:$0x10400] =	vst v63  }
0x1cf: {  	v3 =	vld [tilespmem:$0x270];
	_ =	sdelay $0x4  }
0x1d0: {  	v39 =	vshll.u32 v3, $0x1  }
0x1d1: {  	v3 =	vand.u32 $0x7, v3;
	v4 =	vand.u32 $0xFFFFFFF0, v39  }
0x1d2: {  	v3 =	vor.u32 v3, v4  }
0x1d3: {  	v4 =	vperm.xlane v3, v0;
	_ =	sdelay $0x1  }
0x1d4: {  	v3 =	vperm.xlane v3, v2;
	v4 =	vadd.s32 v1, v4;
	_ =	sdelay $0x1  }
0x1d5: {  	v3 =	vadd.s32 v1, v3;
	_ =	sdelay $0x2  }
0x1d6: {  	[tilespmem:s18], [sflag:$0x1] =	stream.indirect_vreg.gather [hbm4b:s1+s3], $0x80, v4, vm0, $0xb8;
	[tilespmem:$0x10400] =	vst v63  }
0x1d7: {  	_ = 	snop  }
0x1d8: {  	[tilespmem:s10], [sflag:$0x1] =	stream.indirect_vreg.gather [hbm4b:s1+s3], $0x80, v3, vm0, $0xb8;
	[tilespmem:$0x10400] =	vst v63  }
0x1d9: {  	_ =	swait.ge [sflag:s13], $0x8000  }
0x1da: {  	[sflag:s13] =	ssyncset.done $0x0  }
0x1db: {  	s19 =	rddreg [dreg:$0x8];
	[sflag:s13] =	ssyncadd.s32 $0xFFFF8000  }
0x1dc: {  	[hbm4b:s19+s3] =	stream.linear.scatter [tilespmem:s22], [sflag:$0x4], $0x8000, $0x38;
	[tilespmem:$0x10400] =	vst v63  }
0x1dd: {  	_ =	swait.ge [sflag:s14], $0x8000  }
0x1de: {  	[sflag:s14] =	ssyncset.done $0x0  }
0x1df: {  	[sflag:s14] =	ssyncadd.s32 $0xFFFF8000  }
0x1e0: {  	v3 =	vld [tilespmem:$0x280];
	_ =	sdelay $0x4  }
0x1e1: {  	v40 =	vshll.u32 v3, $0x1  }
0x1e2: {  	v3 =	vand.u32 $0x7, v3;
	v4 =	vand.u32 $0xFFFFFFF0, v40  }
0x1e3: {  	v3 =	vor.u32 v3, v4  }
0x1e4: {  	v4 =	vperm.xlane v3, v0;
	_ =	sdelay $0x1  }
0x1e5: {  	v3 =	vperm.xlane v3, v2;
	v4 =	vadd.s32 v1, v4;
	_ =	sdelay $0x1  }
0x1e6: {  	v3 =	vadd.s32 v1, v3;
	_ =	sdelay $0x2  }
0x1e7: {  	[tilespmem:s22], [sflag:$0x2] =	stream.indirect_vreg.gather [hbm4b:s1+s3], $0x80, v4, vm0, $0xb8;
	[tilespmem:$0x10400] =	vst v63  }
0x1e8: {  	s31 =	simm.s32 $0x8C00  }
0x1e9: {  	[tilespmem:s31], [sflag:$0x2] =	stream.indirect_vreg.gather [hbm4b:s1+s3], $0x80, v3, vm0, $0xb8;
	[tilespmem:$0x10400] =	vst v63  }
0x1ea: {  	v3 =	vld [tilespmem:$0x290];
	_ =	sdelay $0x4  }
0x1eb: {  	v41 =	vshll.u32 v3, $0x1  }
0x1ec: {  	v3 =	vand.u32 $0x7, v3;
	v4 =	vand.u32 $0xFFFFFFF0, v41  }
0x1ed: {  	v3 =	vor.u32 v3, v4  }
0x1ee: {  	v4 =	vperm.xlane v3, v0;
	_ =	sdelay $0x1  }
0x1ef: {  	v3 =	vperm.xlane v3, v2;
	v4 =	vadd.s32 v1, v4;
	_ =	sdelay $0x1  }
0x1f0: {  	v3 =	vadd.s32 v1, v3;
	_ =	sdelay $0x2  }
0x1f1: {  	[tilespmem:s0], [sflag:$0x2] =	stream.indirect_vreg.gather [hbm4b:s1+s3], $0x80, v4, vm0, $0xb8;
	[tilespmem:$0x10400] =	vst v63  }
0x1f2: {  	_ = 	snop  }
0x1f3: {  	[tilespmem:s5], [sflag:$0x2] =	stream.indirect_vreg.gather [hbm4b:s1+s3], $0x80, v3, vm0, $0xb8;
	[tilespmem:$0x10400] =	vst v63  }
0x1f4: {  	v3 =	vld [tilespmem:$0x2A0];
	_ =	sdelay $0x4  }
0x1f5: {  	v42 =	vshll.u32 v3, $0x1  }
0x1f6: {  	v3 =	vand.u32 $0x7, v3;
	v4 =	vand.u32 $0xFFFFFFF0, v42  }
0x1f7: {  	v3 =	vor.u32 v3, v4  }
0x1f8: {  	v4 =	vperm.xlane v3, v0;
	_ =	sdelay $0x1  }
0x1f9: {  	v3 =	vperm.xlane v3, v2;
	v4 =	vadd.s32 v1, v4;
	_ =	sdelay $0x1  }
0x1fa: {  	v3 =	vadd.s32 v1, v3;
	_ =	sdelay $0x2  }
0x1fb: {  	[tilespmem:s2], [sflag:$0x2] =	stream.indirect_vreg.gather [hbm4b:s1+s3], $0x80, v4, vm0, $0xb8;
	[tilespmem:$0x10400] =	vst v63  }
0x1fc: {  	_ = 	snop  }
0x1fd: {  	[tilespmem:s6], [sflag:$0x2] =	stream.indirect_vreg.gather [hbm4b:s1+s3], $0x80, v3, vm0, $0xb8;
	[tilespmem:$0x10400] =	vst v63  }
0x1fe: {  	v3 =	vld [tilespmem:$0x2B0];
	_ =	sdelay $0x4  }
0x1ff: {  	v43 =	vshll.u32 v3, $0x1  }
0x200: {  	v3 =	vand.u32 $0x7, v3;
	v4 =	vand.u32 $0xFFFFFFF0, v43  }
0x201: {  	v3 =	vor.u32 v3, v4  }
0x202: {  	v4 =	vperm.xlane v3, v0;
	_ =	sdelay $0x1  }
0x203: {  	v3 =	vperm.xlane v3, v2;
	v4 =	vadd.s32 v1, v4;
	_ =	sdelay $0x1  }
0x204: {  	v3 =	vadd.s32 v1, v3;
	_ =	sdelay $0x1  }
0x205: {  	s28 =	simm.s32 $0xB400  }
0x206: {  	[tilespmem:s28], [sflag:$0x2] =	stream.indirect_vreg.gather [hbm4b:s1+s3], $0x80, v4, vm0, $0xb8;
	[tilespmem:$0x10400] =	vst v63  }
0x207: {  	s29 =	simm.s32 $0xBC00  }
0x208: {  	[tilespmem:s29], [sflag:$0x2] =	stream.indirect_vreg.gather [hbm4b:s1+s3], $0x80, v3, vm0, $0xb8;
	[tilespmem:$0x10400] =	vst v63  }
0x209: {  	v3 =	vld [tilespmem:$0x2C0];
	_ =	sdelay $0x4  }
0x20a: {  	v44 =	vshll.u32 v3, $0x1  }
0x20b: {  	v3 =	vand.u32 $0x7, v3;
	v4 =	vand.u32 $0xFFFFFFF0, v44  }
0x20c: {  	v3 =	vor.u32 v3, v4  }
0x20d: {  	v4 =	vperm.xlane v3, v0;
	_ =	sdelay $0x1  }
0x20e: {  	v3 =	vperm.xlane v3, v2;
	v4 =	vadd.s32 v1, v4;
	_ =	sdelay $0x1  }
0x20f: {  	v3 =	vadd.s32 v1, v3;
	_ =	sdelay $0x1  }
0x210: {  	s30 =	simm.s32 $0xC400  }
0x211: {  	[tilespmem:s30], [sflag:$0x2] =	stream.indirect_vreg.gather [hbm4b:s1+s3], $0x80, v4, vm0, $0xb8;
	[tilespmem:$0x10400] =	vst v63  }
0x212: {  	s23 =	simm.s32 $0xCC00  }
0x213: {  	[tilespmem:s23], [sflag:$0x2] =	stream.indirect_vreg.gather [hbm4b:s1+s3], $0x80, v3, vm0, $0xb8;
	[tilespmem:$0x10400] =	vst v63  }
0x214: {  	v3 =	vld [tilespmem:$0x2D0];
	_ =	sdelay $0x4  }
0x215: {  	v45 =	vshll.u32 v3, $0x1  }
0x216: {  	v3 =	vand.u32 $0x7, v3;
	v4 =	vand.u32 $0xFFFFFFF0, v45  }
0x217: {  	v3 =	vor.u32 v3, v4  }
0x218: {  	v4 =	vperm.xlane v3, v0;
	_ =	sdelay $0x1  }
0x219: {  	v3 =	vperm.xlane v3, v2;
	v4 =	vadd.s32 v1, v4;
	_ =	sdelay $0x1  }
0x21a: {  	v3 =	vadd.s32 v1, v3;
	_ =	sdelay $0x1  }
0x21b: {  	s21 =	simm.s32 $0xD400  }
0x21c: {  	[tilespmem:s21], [sflag:$0x2] =	stream.indirect_vreg.gather [hbm4b:s1+s3], $0x80, v4, vm0, $0xb8;
	[tilespmem:$0x10400] =	vst v63  }
0x21d: {  	s25 =	simm.s32 $0xDC00  }
0x21e: {  	[tilespmem:s25], [sflag:$0x2] =	stream.indirect_vreg.gather [hbm4b:s1+s3], $0x80, v3, vm0, $0xb8;
	[tilespmem:$0x10400] =	vst v63  }
0x21f: {  	v3 =	vld [tilespmem:$0x2E0];
	_ =	sdelay $0x4  }
0x220: {  	v46 =	vshll.u32 v3, $0x1  }
0x221: {  	v3 =	vand.u32 $0x7, v3;
	v4 =	vand.u32 $0xFFFFFFF0, v46  }
0x222: {  	v3 =	vor.u32 v3, v4  }
0x223: {  	v4 =	vperm.xlane v3, v0;
	_ =	sdelay $0x1  }
0x224: {  	v3 =	vperm.xlane v3, v2;
	v4 =	vadd.s32 v1, v4;
	_ =	sdelay $0x1  }
0x225: {  	v3 =	vadd.s32 v1, v3;
	_ =	sdelay $0x1  }
0x226: {  	s24 =	simm.s32 $0xE400  }
0x227: {  	[tilespmem:s24], [sflag:$0x2] =	stream.indirect_vreg.gather [hbm4b:s1+s3], $0x80, v4, vm0, $0xb8;
	[tilespmem:$0x10400] =	vst v63  }
0x228: {  	s25 =	simm.s32 $0xEC00  }
0x229: {  	[tilespmem:s25], [sflag:$0x2] =	stream.indirect_vreg.gather [hbm4b:s1+s3], $0x80, v3, vm0, $0xb8;
	[tilespmem:$0x10400] =	vst v63  }
0x22a: {  	v3 =	vld [tilespmem:$0x2F0];
	_ =	sdelay $0x4  }
0x22b: {  	v47 =	vshll.u32 v3, $0x1  }
0x22c: {  	v3 =	vand.u32 $0x7, v3;
	v4 =	vand.u32 $0xFFFFFFF0, v47  }
0x22d: {  	v3 =	vor.u32 v3, v4  }
0x22e: {  	v4 =	vperm.xlane v3, v0;
	_ =	sdelay $0x1  }
0x22f: {  	v3 =	vperm.xlane v3, v2;
	v4 =	vadd.s32 v1, v4;
	_ =	sdelay $0x1  }
0x230: {  	v3 =	vadd.s32 v1, v3;
	_ =	sdelay $0x1  }
0x231: {  	s24 =	simm.s32 $0xF400  }
0x232: {  	[tilespmem:s24], [sflag:$0x2] =	stream.indirect_vreg.gather [hbm4b:s1+s3], $0x80, v4, vm0, $0xb8;
	[tilespmem:$0x10400] =	vst v63  }
0x233: {  	s15 =	simm.s32 $0xFC00  }
0x234: {  	[tilespmem:s15], [sflag:$0x2] =	stream.indirect_vreg.gather [hbm4b:s1+s3], $0x80, v3, vm0, $0xb8;
	[tilespmem:$0x10400] =	vst v63  }
0x235: {  	_ =	swait.ge [sflag:s11], $0x8000  }
0x236: {  	[sflag:s11] =	ssyncset.done $0x0  }
0x237: {  	s15 =	rddreg [dreg:$0x9];
	[sflag:s11] =	ssyncadd.s32 $0xFFFF8000  }
0x238: {  	[hbm4b:s15+s3] =	stream.linear.scatter [tilespmem:s26], [sflag:$0x3], $0x8000, $0x38;
	[tilespmem:$0x10400] =	vst v63  }
0x239: {  	_ =	swait.ge [sflag:s12], $0x8000  }
0x23a: {  	[sflag:s12] =	ssyncset.done $0x0  }
0x23b: {  	[sflag:s12] =	ssyncadd.s32 $0xFFFF8000  }
0x23c: {  	v3 =	vld [tilespmem:$0x300];
	_ =	sdelay $0x4  }
0x23d: {  	v48 =	vshll.u32 v3, $0x1  }
0x23e: {  	v3 =	vand.u32 $0x7, v3;
	v4 =	vand.u32 $0xFFFFFFF0, v48  }
0x23f: {  	v3 =	vor.u32 v3, v4  }
0x240: {  	v4 =	vperm.xlane v3, v0;
	_ =	sdelay $0x1  }
0x241: {  	v3 =	vperm.xlane v3, v2;
	v4 =	vadd.s32 v1, v4;
	_ =	sdelay $0x1  }
0x242: {  	v3 =	vadd.s32 v1, v3;
	_ =	sdelay $0x2  }
0x243: {  	[tilespmem:s26], [sflag:$0x1] =	stream.indirect_vreg.gather [hbm4b:s1+s3], $0x80, v4, vm0, $0xb8;
	[tilespmem:$0x10400] =	vst v63  }
0x244: {  	s15 =	simm.s32 $0xC00  }
0x245: {  	[tilespmem:s15], [sflag:$0x1] =	stream.indirect_vreg.gather [hbm4b:s1+s3], $0x80, v3, vm0, $0xb8;
	[tilespmem:$0x10400] =	vst v63  }
0x246: {  	v3 =	vld [tilespmem:$0x310];
	_ =	sdelay $0x4  }
0x247: {  	v49 =	vshll.u32 v3, $0x1  }
0x248: {  	v3 =	vand.u32 $0x7, v3;
	v4 =	vand.u32 $0xFFFFFFF0, v49  }
0x249: {  	v3 =	vor.u32 v3, v4  }
0x24a: {  	v4 =	vperm.xlane v3, v0;
	_ =	sdelay $0x1  }
0x24b: {  	v3 =	vperm.xlane v3, v2;
	v4 =	vadd.s32 v1, v4;
	_ =	sdelay $0x1  }
0x24c: {  	v3 =	vadd.s32 v1, v3;
	_ =	sdelay $0x1  }
0x24d: {  	s15 =	simm.s32 $0x1400  }
0x24e: {  	[tilespmem:s15], [sflag:$0x1] =	stream.indirect_vreg.gather [hbm4b:s1+s3], $0x80, v4, vm0, $0xb8;
	[tilespmem:$0x10400] =	vst v63  }
0x24f: {  	s15 =	simm.s32 $0x1C00  }
0x250: {  	[tilespmem:s15], [sflag:$0x1] =	stream.indirect_vreg.gather [hbm4b:s1+s3], $0x80, v3, vm0, $0xb8;
	[tilespmem:$0x10400] =	vst v63  }
0x251: {  	v3 =	vld [tilespmem:$0x320];
	_ =	sdelay $0x4  }
0x252: {  	v50 =	vshll.u32 v3, $0x1  }
0x253: {  	v3 =	vand.u32 $0x7, v3;
	v4 =	vand.u32 $0xFFFFFFF0, v50  }
0x254: {  	v3 =	vor.u32 v3, v4  }
0x255: {  	v4 =	vperm.xlane v3, v0;
	_ =	sdelay $0x1  }
0x256: {  	v3 =	vperm.xlane v3, v2;
	v4 =	vadd.s32 v1, v4;
	_ =	sdelay $0x1  }
0x257: {  	v3 =	vadd.s32 v1, v3;
	_ =	sdelay $0x1  }
0x258: {  	s15 =	simm.s32 $0x2400  }
0x259: {  	[tilespmem:s15], [sflag:$0x1] =	stream.indirect_vreg.gather [hbm4b:s1+s3], $0x80, v4, vm0, $0xb8;
	[tilespmem:$0x10400] =	vst v63  }
0x25a: {  	s20 =	simm.s32 $0x2C00  }
0x25b: {  	[tilespmem:s20], [sflag:$0x1] =	stream.indirect_vreg.gather [hbm4b:s1+s3], $0x80, v3, vm0, $0xb8;
	[tilespmem:$0x10400] =	vst v63  }
0x25c: {  	v3 =	vld [tilespmem:$0x330];
	_ =	sdelay $0x4  }
0x25d: {  	v51 =	vshll.u32 v3, $0x1  }
0x25e: {  	v3 =	vand.u32 $0x7, v3;
	v4 =	vand.u32 $0xFFFFFFF0, v51  }
0x25f: {  	v3 =	vor.u32 v3, v4  }
0x260: {  	v4 =	vperm.xlane v3, v0;
	_ =	sdelay $0x1  }
0x261: {  	v3 =	vperm.xlane v3, v2;
	v4 =	vadd.s32 v1, v4;
	_ =	sdelay $0x1  }
0x262: {  	v3 =	vadd.s32 v1, v3;
	_ =	sdelay $0x1  }
0x263: {  	s7 =	simm.s32 $0x3400  }
0x264: {  	[tilespmem:s7], [sflag:$0x1] =	stream.indirect_vreg.gather [hbm4b:s1+s3], $0x80, v4, vm0, $0xb8;
	[tilespmem:$0x10400] =	vst v63  }
0x265: {  	s15 =	simm.s32 $0x3C00  }
0x266: {  	[tilespmem:s15], [sflag:$0x1] =	stream.indirect_vreg.gather [hbm4b:s1+s3], $0x80, v3, vm0, $0xb8;
	[tilespmem:$0x10400] =	vst v63  }
0x267: {  	v3 =	vld [tilespmem:$0x340];
	_ =	sdelay $0x4  }
0x268: {  	v52 =	vshll.u32 v3, $0x1  }
0x269: {  	v3 =	vand.u32 $0x7, v3;
	v4 =	vand.u32 $0xFFFFFFF0, v52  }
0x26a: {  	v3 =	vor.u32 v3, v4  }
0x26b: {  	v4 =	vperm.xlane v3, v0;
	_ =	sdelay $0x1  }
0x26c: {  	v3 =	vperm.xlane v3, v2;
	v4 =	vadd.s32 v1, v4;
	_ =	sdelay $0x1  }
0x26d: {  	v3 =	vadd.s32 v1, v3;
	_ =	sdelay $0x1  }
0x26e: {  	s8 =	simm.s32 $0x4400  }
0x26f: {  	[tilespmem:s8], [sflag:$0x1] =	stream.indirect_vreg.gather [hbm4b:s1+s3], $0x80, v4, vm0, $0xb8;
	[tilespmem:$0x10400] =	vst v63  }
0x270: {  	s16 =	simm.s32 $0x4C00  }
0x271: {  	[tilespmem:s16], [sflag:$0x1] =	stream.indirect_vreg.gather [hbm4b:s1+s3], $0x80, v3, vm0, $0xb8;
	[tilespmem:$0x10400] =	vst v63  }
0x272: {  	v3 =	vld [tilespmem:$0x350];
	_ =	sdelay $0x4  }
0x273: {  	v53 =	vshll.u32 v3, $0x1  }
0x274: {  	v3 =	vand.u32 $0x7, v3;
	v4 =	vand.u32 $0xFFFFFFF0, v53  }
0x275: {  	v3 =	vor.u32 v3, v4  }
0x276: {  	v4 =	vperm.xlane v3, v0;
	_ =	sdelay $0x1  }
0x277: {  	v3 =	vperm.xlane v3, v2;
	v4 =	vadd.s32 v1, v4;
	_ =	sdelay $0x1  }
0x278: {  	v3 =	vadd.s32 v1, v3;
	_ =	sdelay $0x1  }
0x279: {  	s9 =	simm.s32 $0x5400  }
0x27a: {  	[tilespmem:s9], [sflag:$0x1] =	stream.indirect_vreg.gather [hbm4b:s1+s3], $0x80, v4, vm0, $0xb8;
	[tilespmem:$0x10400] =	vst v63  }
0x27b: {  	s17 =	simm.s32 $0x5C00  }
0x27c: {  	[tilespmem:s17], [sflag:$0x1] =	stream.indirect_vreg.gather [hbm4b:s1+s3], $0x80, v3, vm0, $0xb8;
	[tilespmem:$0x10400] =	vst v63  }
0x27d: {  	v3 =	vld [tilespmem:$0x360];
	_ =	sdelay $0x4  }
0x27e: {  	v54 =	vshll.u32 v3, $0x1  }
0x27f: {  	v3 =	vand.u32 $0x7, v3;
	v4 =	vand.u32 $0xFFFFFFF0, v54  }
0x280: {  	v3 =	vor.u32 v3, v4  }
0x281: {  	v4 =	vperm.xlane v3, v0;
	_ =	sdelay $0x1  }
0x282: {  	v3 =	vperm.xlane v3, v2;
	v4 =	vadd.s32 v1, v4;
	_ =	sdelay $0x1  }
0x283: {  	v3 =	vadd.s32 v1, v3;
	_ =	sdelay $0x1  }
0x284: {  	s16 =	simm.s32 $0x6400  }
0x285: {  	[tilespmem:s16], [sflag:$0x1] =	stream.indirect_vreg.gather [hbm4b:s1+s3], $0x80, v4, vm0, $0xb8;
	[tilespmem:$0x10400] =	vst v63  }
0x286: {  	s17 =	simm.s32 $0x6C00  }
0x287: {  	[tilespmem:s17], [sflag:$0x1] =	stream.indirect_vreg.gather [hbm4b:s1+s3], $0x80, v3, vm0, $0xb8;
	[tilespmem:$0x10400] =	vst v63  }
0x288: {  	v3 =	vld [tilespmem:$0x370];
	_ =	sdelay $0x4  }
0x289: {  	v55 =	vshll.u32 v3, $0x1  }
0x28a: {  	v3 =	vand.u32 $0x7, v3;
	v4 =	vand.u32 $0xFFFFFFF0, v55  }
0x28b: {  	v3 =	vor.u32 v3, v4  }
0x28c: {  	v4 =	vperm.xlane v3, v0;
	_ =	sdelay $0x1  }
0x28d: {  	v3 =	vperm.xlane v3, v2;
	v4 =	vadd.s32 v1, v4;
	_ =	sdelay $0x1  }
0x28e: {  	v3 =	vadd.s32 v1, v3;
	_ =	sdelay $0x1  }
0x28f: {  	s18 =	simm.s32 $0x7400  }
0x290: {  	[tilespmem:s18], [sflag:$0x1] =	stream.indirect_vreg.gather [hbm4b:s1+s3], $0x80, v4, vm0, $0xb8;
	[tilespmem:$0x10400] =	vst v63  }
0x291: {  	s10 =	simm.s32 $0x7C00  }
0x292: {  	[tilespmem:s10], [sflag:$0x1] =	stream.indirect_vreg.gather [hbm4b:s1+s3], $0x80, v3, vm0, $0xb8;
	[tilespmem:$0x10400] =	vst v63  }
0x293: {  	_ =	swait.ge [sflag:s13], $0x8000  }
0x294: {  	[sflag:s13] =	ssyncset.done $0x0  }
0x295: {  	s18 =	rddreg [dreg:$0xa];
	[sflag:s13] =	ssyncadd.s32 $0xFFFF8000  }
0x296: {  	[hbm4b:s18+s3] =	stream.linear.scatter [tilespmem:s22], [sflag:$0x4], $0x8000, $0x38;
	[tilespmem:$0x10400] =	vst v63  }
0x297: {  	_ =	swait.ge [sflag:s14], $0x8000  }
0x298: {  	[sflag:s14] =	ssyncset.done $0x0  }
0x299: {  	[sflag:s14] =	ssyncadd.s32 $0xFFFF8000  }
0x29a: {  	v3 =	vld [tilespmem:$0x380];
	_ =	sdelay $0x4  }
0x29b: {  	v56 =	vshll.u32 v3, $0x1  }
0x29c: {  	v3 =	vand.u32 $0x7, v3;
	v4 =	vand.u32 $0xFFFFFFF0, v56  }
0x29d: {  	v3 =	vor.u32 v3, v4  }
0x29e: {  	v4 =	vperm.xlane v3, v0;
	_ =	sdelay $0x1  }
0x29f: {  	v3 =	vperm.xlane v3, v2;
	v4 =	vadd.s32 v1, v4;
	_ =	sdelay $0x1  }
0x2a0: {  	v3 =	vadd.s32 v1, v3;
	_ =	sdelay $0x2  }
0x2a1: {  	[tilespmem:s22], [sflag:$0x2] =	stream.indirect_vreg.gather [hbm4b:s1+s3], $0x80, v4, vm0, $0xb8;
	[tilespmem:$0x10400] =	vst v63  }
0x2a2: {  	s20 =	simm.s32 $0x8C00  }
0x2a3: {  	[tilespmem:s20], [sflag:$0x2] =	stream.indirect_vreg.gather [hbm4b:s1+s3], $0x80, v3, vm0, $0xb8;
	[tilespmem:$0x10400] =	vst v63  }
0x2a4: {  	v3 =	vld [tilespmem:$0x390];
	_ =	sdelay $0x4  }
0x2a5: {  	v57 =	vshll.u32 v3, $0x1  }
0x2a6: {  	v3 =	vand.u32 $0x7, v3;
	v4 =	vand.u32 $0xFFFFFFF0, v57  }
0x2a7: {  	v3 =	vor.u32 v3, v4  }
0x2a8: {  	v4 =	vperm.xlane v3, v0;
	_ =	sdelay $0x1  }
0x2a9: {  	v3 =	vperm.xlane v3, v2;
	v4 =	vadd.s32 v1, v4;
	_ =	sdelay $0x1  }
0x2aa: {  	v3 =	vadd.s32 v1, v3;
	_ =	sdelay $0x1  }
0x2ab: {  	s0 =	simm.s32 $0x9400  }
0x2ac: {  	[tilespmem:s0], [sflag:$0x2] =	stream.indirect_vreg.gather [hbm4b:s1+s3], $0x80, v4, vm0, $0xb8;
	[tilespmem:$0x10400] =	vst v63  }
0x2ad: {  	s5 =	simm.s32 $0x9C00  }
0x2ae: {  	[tilespmem:s5], [sflag:$0x2] =	stream.indirect_vreg.gather [hbm4b:s1+s3], $0x80, v3, vm0, $0xb8;
	[tilespmem:$0x10400] =	vst v63  }
0x2af: {  	v3 =	vld [tilespmem:$0x3A0];
	_ =	sdelay $0x4  }
0x2b0: {  	v58 =	vshll.u32 v3, $0x1  }
0x2b1: {  	v3 =	vand.u32 $0x7, v3;
	v4 =	vand.u32 $0xFFFFFFF0, v58  }
0x2b2: {  	v3 =	vor.u32 v3, v4  }
0x2b3: {  	v4 =	vperm.xlane v3, v0;
	_ =	sdelay $0x1  }
0x2b4: {  	v3 =	vperm.xlane v3, v2;
	v4 =	vadd.s32 v1, v4;
	_ =	sdelay $0x1  }
0x2b5: {  	v3 =	vadd.s32 v1, v3;
	_ =	sdelay $0x1  }
0x2b6: {  	s2 =	simm.s32 $0xA400  }
0x2b7: {  	[tilespmem:s2], [sflag:$0x2] =	stream.indirect_vreg.gather [hbm4b:s1+s3], $0x80, v4, vm0, $0xb8;
	[tilespmem:$0x10400] =	vst v63  }
0x2b8: {  	s6 =	simm.s32 $0xAC00  }
0x2b9: {  	[tilespmem:s6], [sflag:$0x2] =	stream.indirect_vreg.gather [hbm4b:s1+s3], $0x80, v3, vm0, $0xb8;
	[tilespmem:$0x10400] =	vst v63  }
0x2ba: {  	v3 =	vld [tilespmem:$0x3B0];
	_ =	sdelay $0x4  }
0x2bb: {  	v59 =	vshll.u32 v3, $0x1  }
0x2bc: {  	v3 =	vand.u32 $0x7, v3;
	v4 =	vand.u32 $0xFFFFFFF0, v59  }
0x2bd: {  	v3 =	vor.u32 v3, v4  }
0x2be: {  	v4 =	vperm.xlane v3, v0;
	_ =	sdelay $0x1  }
0x2bf: {  	v3 =	vperm.xlane v3, v2;
	v4 =	vadd.s32 v1, v4;
	_ =	sdelay $0x1  }
0x2c0: {  	v3 =	vadd.s32 v1, v3;
	_ =	sdelay $0x1  }
0x2c1: {  	s31 =	simm.s32 $0xB400  }
0x2c2: {  	[tilespmem:s31], [sflag:$0x2] =	stream.indirect_vreg.gather [hbm4b:s1+s3], $0x80, v4, vm0, $0xb8;
	[tilespmem:$0x10400] =	vst v63  }
0x2c3: {  	s28 =	simm.s32 $0xBC00  }
0x2c4: {  	[tilespmem:s28], [sflag:$0x2] =	stream.indirect_vreg.gather [hbm4b:s1+s3], $0x80, v3, vm0, $0xb8;
	[tilespmem:$0x10400] =	vst v63  }
0x2c5: {  	v3 =	vld [tilespmem:$0x3C0];
	_ =	sdelay $0x4  }
0x2c6: {  	v60 =	vshll.u32 v3, $0x1  }
0x2c7: {  	v3 =	vand.u32 $0x7, v3;
	v4 =	vand.u32 $0xFFFFFFF0, v60  }
0x2c8: {  	v3 =	vor.u32 v3, v4  }
0x2c9: {  	v4 =	vperm.xlane v3, v0;
	_ =	sdelay $0x1  }
0x2ca: {  	v3 =	vperm.xlane v3, v2;
	v4 =	vadd.s32 v1, v4;
	_ =	sdelay $0x1  }
0x2cb: {  	v3 =	vadd.s32 v1, v3;
	_ =	sdelay $0x1  }
0x2cc: {  	s29 =	simm.s32 $0xC400  }
0x2cd: {  	[tilespmem:s29], [sflag:$0x2] =	stream.indirect_vreg.gather [hbm4b:s1+s3], $0x80, v4, vm0, $0xb8;
	[tilespmem:$0x10400] =	vst v63  }
0x2ce: {  	s30 =	simm.s32 $0xCC00  }
0x2cf: {  	[tilespmem:s30], [sflag:$0x2] =	stream.indirect_vreg.gather [hbm4b:s1+s3], $0x80, v3, vm0, $0xb8;
	[tilespmem:$0x10400] =	vst v63  }
0x2d0: {  	v3 =	vld [tilespmem:$0x3D0];
	_ =	sdelay $0x4  }
0x2d1: {  	v61 =	vshll.u32 v3, $0x1  }
0x2d2: {  	v3 =	vand.u32 $0x7, v3;
	v4 =	vand.u32 $0xFFFFFFF0, v61  }
0x2d3: {  	v3 =	vor.u32 v3, v4  }
0x2d4: {  	v4 =	vperm.xlane v3, v0;
	_ =	sdelay $0x1  }
0x2d5: {  	v3 =	vperm.xlane v3, v2;
	v4 =	vadd.s32 v1, v4;
	_ =	sdelay $0x1  }
0x2d6: {  	v3 =	vadd.s32 v1, v3;
	_ =	sdelay $0x1  }
0x2d7: {  	s23 =	simm.s32 $0xD400  }
0x2d8: {  	[tilespmem:s23], [sflag:$0x2] =	stream.indirect_vreg.gather [hbm4b:s1+s3], $0x80, v4, vm0, $0xb8;
	[tilespmem:$0x10400] =	vst v63  }
0x2d9: {  	s19 =	simm.s32 $0xDC00  }
0x2da: {  	[tilespmem:s19], [sflag:$0x2] =	stream.indirect_vreg.gather [hbm4b:s1+s3], $0x80, v3, vm0, $0xb8;
	[tilespmem:$0x10400] =	vst v63  }
0x2db: {  	v3 =	vld [tilespmem:$0x3E0];
	_ =	sdelay $0x4  }
0x2dc: {  	v62 =	vshll.u32 v3, $0x1  }
0x2dd: {  	v3 =	vand.u32 $0x7, v3;
	v4 =	vand.u32 $0xFFFFFFF0, v62  }
0x2de: {  	v3 =	vor.u32 v3, v4  }
0x2df: {  	v4 =	vperm.xlane v3, v0;
	_ =	sdelay $0x1  }
0x2e0: {  	v3 =	vperm.xlane v3, v2;
	v4 =	vadd.s32 v1, v4;
	_ =	sdelay $0x1  }
0x2e1: {  	v3 =	vadd.s32 v1, v3;
	_ =	sdelay $0x1  }
0x2e2: {  	s21 =	simm.s32 $0xE400  }
0x2e3: {  	[tilespmem:s21], [sflag:$0x2] =	stream.indirect_vreg.gather [hbm4b:s1+s3], $0x80, v4, vm0, $0xb8;
	[tilespmem:$0x10400] =	vst v63  }
0x2e4: {  	s25 =	simm.s32 $0xEC00  }
0x2e5: {  	[tilespmem:s25], [sflag:$0x2] =	stream.indirect_vreg.gather [hbm4b:s1+s3], $0x80, v3, vm0, $0xb8;
	[tilespmem:$0x10400] =	vst v63  }
0x2e6: {  	v3 =	vld [tilespmem:$0x3F0];
	_ =	sdelay $0x4  }
0x2e7: {  	v63 =	vshll.u32 v3, $0x1  }
0x2e8: {  	v3 =	vand.u32 $0x7, v3;
	v4 =	vand.u32 $0xFFFFFFF0, v63  }
0x2e9: {  	v3 =	vor.u32 v3, v4  }
0x2ea: {  	v4 =	vperm.xlane v3, v0;
	_ =	sdelay $0x1  }
0x2eb: {  	v3 =	vperm.xlane v3, v2;
	v4 =	vadd.s32 v1, v4;
	_ =	sdelay $0x1  }
0x2ec: {  	v3 =	vadd.s32 v1, v3;
	_ =	sdelay $0x1  }
0x2ed: {  	s24 =	simm.s32 $0xF400  }
0x2ee: {  	[tilespmem:s24], [sflag:$0x2] =	stream.indirect_vreg.gather [hbm4b:s1+s3], $0x80, v4, vm0, $0xb8;
	[tilespmem:$0x10400] =	vst v63  }
0x2ef: {  	s29 =	simm.s32 $0xFC00  }
0x2f0: {  	[tilespmem:s29], [sflag:$0x2] =	stream.indirect_vreg.gather [hbm4b:s1+s3], $0x80, v3, vm0, $0xb8;
	[tilespmem:$0x10400] =	vst v63  }
0x2f1: {  	_ =	swait.ge [sflag:s11], $0x8000  }
0x2f2: {  	[sflag:s11] =	ssyncset.done $0x0  }
0x2f3: {  	s30 =	rddreg [dreg:$0xb];
	[sflag:s11] =	ssyncadd.s32 $0xFFFF8000  }
0x2f4: {  	[hbm4b:s30+s3] =	stream.linear.scatter [tilespmem:s26], [sflag:$0x3], $0x8000, $0x38;
	[tilespmem:$0x10400] =	vst v63  }
0x2f5: {  	_ =	swait.ge [sflag:s13], $0x8000  }
0x2f6: {  	[sflag:s13] =	ssyncset.done $0x0  }
0x2f7: {  	s31 =	rddreg [dreg:$0xc];
	[sflag:s13] =	ssyncadd.s32 $0xFFFF8000  }
0x2f8: {  	[hbm4b:s31+s3] =	stream.linear.scatter [tilespmem:s22], [sflag:$0x4], $0x8000, $0x38;
	[tilespmem:$0x10400] =	vst v63  }
0x2f9: {  	p0 =	sne.s32 s4, $0x1;
	_ =	swait.ge [sflag:s14], $0x8000  }
.Ltmp0:
0x2fa: {  	[sflag:s14] =	ssyncset.done $0x0;
	(pc) =	sbr.rel @p0 .LBB2_1-.Ltmp0, $4  }
0x2fb: {  	[sflag:s14] =	ssyncadd.s32 $0xFFFF8000  }
0x2fc: {  	_ =	swait.ge [sflag:s12], $0x8000  }
0x2fd: {  	[sflag:s12] =	ssyncset.done $0x0  }
0x2fe: {  	s4 =	sadd.s32 $0xFFFFFFFF, s4;
	[sflag:s12] =	ssyncadd.s32 $0xFFFF8000  }
0x2ff: {  	_ =	sfence.sel $0x180000  }
0x300: {  	[bflag:$0x0] =	sbarrier.arrive $0xFFFF  }
0x301: {  	_ =	strace $0x90000047  }
0x302: {  	s0 =	stileid.u32;
	[bflag:$0x2] =	sbarrier.arrive $0xFFFF  }
0x303: {  	p0 =	sne.s32 s0, $0x0;
	s0 =	rddreg [dreg:$0x3]  }
0x304: {  	s0 =	sadd.s32 @!p0 $0x100000, s0  }
0x305: {  	[sflag:s0] =	ssyncadd.tile.s32 @!p0 $0x1;
	_ =	shalt  }
.Lfunc_end2:
_tile_overlayer_lowered:
.L_overlay_start_2:
0x306: {  	(tag) =	ssettag $0x2  }
0x307: {  	s0 =	rddreg [dreg:$0x0];
	s2 =	stileid.u32  }
0x308: {  	s1 =	rddreg [dreg:$0x1];
	p0 =	sne.s32 s2, $0x0  }
0x309: {  	s3 =	rddreg [dreg:$0x2];
	[bflag:$0x3] =	sbarrier.arrive $0xFFFF;
	s2 =	simm.s32 @!p0 $0x1C05  }
0x30a: {  	[timem:s3], [sflag:s2] =	dma.local @!p0 [hbm:s0], s1  }
0x30b: {  	s0 =	simm.s32 @!p0 $0x5  }
0x30c: {  	_ =	swait.ge @!p0 [sflag:s0], s1  }
0x30d: {  	s1 =	ssub.s32 @!p0 $0x0, s1;
	[sflag:s0] =	ssyncset.done @!p0 $0x0  }
0x30e: {  	[sflag:s0] =	ssyncadd.s32 @!p0 s1  }
0x30f: {  	[bflag:$0x3] =	sbarrier.arrive $0xFFFF  }
0x310: {  	_ =	shalt  }

</sc_bundles>
